<compile_context>
chip_gen: v7x
topology: tpu7x:2x2x1
jax: 0.10.2.dev20260603
libtpu: 0.0.44.dev20260713+nightly
codegen_flags: <defaults>
</compile_context>

<pallas_src>
import functools

import jax
import jax.numpy as jnp
from jax import lax
from jax.experimental import pallas as pl
from jax.experimental.pallas import tpu as pltpu
from jax.experimental.pallas import tpu_sc as plsc

CV = 64
NR = 64
CR = 32
RH = 128
TS = 512


def _b(x):
    return x.astype(jnp.bfloat16).astype(jnp.float32)


def _dotd(a, b):
    return jax.lax.dot_general(a.astype(jnp.bfloat16), b.astype(jnp.bfloat16),
                               (((1,), (0,)), ((), ())),
                               preferred_element_type=jnp.float32)


def _dotd_t(a, b):
    return jax.lax.dot_general(a.astype(jnp.bfloat16), b.astype(jnp.bfloat16),
                               (((1,), (1,)), ((), ())),
                               preferred_element_type=jnp.float32)


def _dot_hi(a, b):
    return jax.lax.dot_general(a, b, (((1,), (0,)), ((), ())),
                               preferred_element_type=jnp.float32,
                               precision=jax.lax.Precision.HIGHEST)



def _routing_body(ops_ref, opr_ref,
                  eo_w1, eo_b1, eo_w2, eo_b2,
                  ep_w1, ep_b1, ep_w2, ep_b2,
                  s1q_w, s1q_b, s1k_w, s1k_b, rule_emb,
                  s2q_w, s2q_b, s2k_w, s2k_b,
                  varpc_ref, pos_ref, offx_ref, first_ref, last_ref, rid_ref):
    bsz = varpc_ref.shape[0]
    ntile = bsz // TS
    op1 = ops_ref[:, 0:1]
    op2 = ops_ref[:, 1:2]
    h1 = jnp.maximum(_b(op1) * _b(eo_w1[0:1, :]) + eo_b1[0:1, :], 0.0)
    h2 = jnp.maximum(_b(op2) * _b(eo_w1[0:1, :]) + _b(eo_w1[1:2, :])
                     + eo_b1[0:1, :], 0.0)
    x1e = _dotd(h1, eo_w2[:, :]) + eo_b2[0:1, :]
    x2e = _dotd(h2, eo_w2[:, :]) + eo_b2[0:1, :]
    opv = opr_ref[:, 0:1]
    pre = (jnp.where(opv == 0, _b(ep_w1[0:1, :]), 0.0)
           + jnp.where(opv == 1, _b(ep_w1[1:2, :]), 0.0)
           + jnp.where(opv == 2, _b(ep_w1[2:3, :]), 0.0))
    hop = jnp.maximum(pre + ep_b1[0:1, :], 0.0)
    ope = _dotd(hop, ep_w2[:, :]) + ep_b2[0:1, :]

    read = (jnp.sum(_b(rule_emb[:, :])[:, :, None] * _b(s1k_w[:, :, :]), axis=1)
            + s1k_b[:, :])
    w0 = _dotd(x1e, s1q_w[:, :]) + s1q_b[0:1, :]
    w1m = _dotd(x2e, s1q_w[:, :]) + s1q_b[0:1, :]
    w2m = _dotd(ope, s1q_w[:, :]) + s1q_b[0:1, :]
    att0 = _dotd_t(w0, read)
    att1 = _dotd_t(w1m, read)
    att2 = _dotd_t(w2m, read)
    rowmax = jnp.maximum(jnp.maximum(att0, att1), att2)
    maxv = jnp.max(rowmax, axis=1, keepdims=True)
    niota = jax.lax.broadcasted_iota(jnp.int32, (bsz, NR), 1).astype(jnp.float32)
    cand = jnp.where(rowmax == maxv, niota, float(NR))
    nmin = jnp.min(cand, axis=1, keepdims=True)

    oh = (niota == nmin).astype(jnp.float32)
    rule_body = _dot_hi(oh, rule_emb[:, :])

    r20 = _dotd(rule_body, s2k_w[0]) + s2k_b[0:1, 0, :]
    r21 = _dotd(rule_body, s2k_w[1]) + s2k_b[1:2, 0, :]
    wr0 = _dotd(x1e, s2q_w[0]) + s2q_b[0:1, 0, :]
    wr1 = _dotd(x2e, s2q_w[1]) + s2q_b[1:2, 0, :]
    a00 = jnp.sum(_b(r20) * _b(wr0), axis=1, keepdims=True)
    a01 = jnp.sum(_b(r20) * _b(wr1), axis=1, keepdims=True)
    a10 = jnp.sum(_b(r21) * _b(wr0), axis=1, keepdims=True)
    a11 = jnp.sum(_b(r21) * _b(wr1), axis=1, keepdims=True)
    var_p = jnp.where(a01 > a00, x2e, x1e)
    var_c = jnp.where(a11 > a10, x2e, x1e)
    varpc_ref[:] = jnp.concatenate([var_p, var_c], axis=1)

    nblk = bsz // 128
    counts = jnp.sum(oh, axis=0, keepdims=True)
    rk = jax.lax.broadcasted_iota(jnp.int32, (NR, NR), 0)
    ck = jax.lax.broadcasted_iota(jnp.int32, (NR, NR), 1)
    ut = (rk <= ck).astype(jnp.float32)
    cum_incl = _dot_hi(counts, ut)
    off = cum_incl - counts
    oh3 = oh.reshape(nblk, 128, NR).astype(jnp.bfloat16)
    r128 = jax.lax.broadcasted_iota(jnp.int32, (128, 128), 0)
    c128 = jax.lax.broadcasted_iota(jnp.int32, (128, 128), 1)
    lt3 = jnp.broadcast_to(((c128 <= r128).astype(jnp.bfloat16))[None],
                           (nblk, 128, 128))
    cum_blk = jax.lax.dot_general(
        lt3, oh3, (((2,), (1,)), ((0,), (0,))),
        preferred_element_type=jnp.float32)
    bsums = jnp.sum(oh.reshape(nblk, 128, NR), axis=1)
    rb_ = jax.lax.broadcasted_iota(jnp.int32, (nblk, nblk), 0)
    cb_ = jax.lax.broadcasted_iota(jnp.int32, (nblk, nblk), 1)
    ltb = (cb_ < rb_).astype(jnp.float32)
    boff = _dot_hi(ltb, bsums)
    cum_full = (cum_blk + boff[:, None, :]).reshape(bsz, NR)
    rank = jnp.sum((cum_full - oh) * oh, axis=1, keepdims=True)
    posf = jnp.sum(off * oh, axis=1, keepdims=True) + rank
    pos_ref[:] = posf.astype(jnp.int32)

    nonempty = (counts > 0.0).astype(jnp.float32)
    seg_incl = _dot_hi(nonempty, ut)
    nseg = jnp.sum(nonempty, axis=1, keepdims=True)
    eye = (rk == ck).astype(jnp.float32)
    segidx_col = jnp.sum(jnp.broadcast_to(seg_incl - 1.0, (NR, NR)) * eye,
                         axis=1, keepdims=True)
    ne_col = jnp.sum(jnp.broadcast_to(nonempty, (NR, NR)) * eye,
                     axis=1, keepdims=True)
    kio = ck.astype(jnp.float32)
    m = ((segidx_col == kio) & (ne_col > 0.0)).astype(jnp.float32)
    riota_row = jax.lax.broadcasted_iota(jnp.int32, (1, NR), 1).astype(jnp.float32)
    rid = _dot_hi(riota_row, m)
    segoff = _dot_hi(off, m)
    segoff = jnp.where(riota_row < nseg, segoff, float(bsz))

    offt = jnp.broadcast_to(segoff, (ntile, NR))
    tstart = (jax.lax.broadcasted_iota(jnp.int32, (ntile, 1), 0)
              .astype(jnp.float32) * float(TS))
    tend = tstart + float(TS - 1)
    first = jnp.sum((offt <= tstart).astype(jnp.float32), axis=1,
                    keepdims=True) - 1.0
    last = jnp.sum((offt <= tend).astype(jnp.float32), axis=1,
                   keepdims=True) - 1.0
    offx_ref[:] = jnp.concatenate(
        [segoff, jnp.full((1, 1), float(bsz), jnp.float32)], axis=1
    ).astype(jnp.int32)
    first_ref[:] = first.reshape(1, ntile).astype(jnp.int32)
    last_ref[:] = last.reshape(1, ntile).astype(jnp.int32)
    rid_ref[:] = rid.astype(jnp.int32)


def _routing(operand1, operand2, operator, p):
    b = operand1.shape[0]
    ntile = b // TS
    ops = jnp.stack([operand1, operand2], axis=1)
    opr = operator.reshape(b, 1).astype(jnp.int32)

    def row(v):
        return v.reshape(1, -1)

    args = (
        ops, opr,
        p['eo_w1'], row(p['eo_b1']), p['eo_w2'], row(p['eo_b2']),
        p['ep_w1'], row(p['ep_b1']), p['ep_w2'], row(p['ep_b2']),
        p['s1q_w'], row(p['s1q_b']), p['s1k_w'], p['s1k_b'], p['rule_emb'],
        p['s2q_w'], p['s2q_b'].reshape(2, 1, 16), p['s2k_w'],
        p['s2k_b'].reshape(2, 1, 16),
    )
    return pl.pallas_call(
        _routing_body,
        out_shape=(jax.ShapeDtypeStruct((b, 2 * CV), jnp.float32),
                   jax.ShapeDtypeStruct((b, 1), jnp.int32),
                   jax.ShapeDtypeStruct((1, NR + 1), jnp.int32),
                   jax.ShapeDtypeStruct((1, ntile), jnp.int32),
                   jax.ShapeDtypeStruct((1, ntile), jnp.int32),
                   jax.ShapeDtypeStruct((1, NR), jnp.int32)),
    )(*args)



def _sc_permute(x, pos, direction):
    b, d = x.shape
    info = plsc.get_sparse_core_info()
    nw = info.num_cores * info.num_subcores
    bpw = b // nw
    mesh = plsc.VectorSubcoreMesh(core_axis_name="c", subcore_axis_name="s")

    @functools.partial(
        pl.kernel, mesh=mesh,
        out_type=jax.ShapeDtypeStruct((b, d), jnp.float32),
        scratch_types=[
            pltpu.VMEM((bpw,), jnp.int32),
            pltpu.VMEM((bpw, d), jnp.float32),
            pltpu.SemaphoreType.DMA,
        ],
    )
    def k(x_hbm, pos_hbm, out_hbm, idx_v, rows_v, sem):
        wid = lax.axis_index("s") * info.num_cores + lax.axis_index("c")
        base = wid * bpw
        pltpu.sync_copy(pos_hbm.at[pl.ds(base, bpw)], idx_v)
        if direction == 'scatter':
            pltpu.sync_copy(x_hbm.at[pl.ds(base, bpw)], rows_v)
            pltpu.async_copy(rows_v, out_hbm.at[idx_v], sem).wait()
        else:
            pltpu.async_copy(x_hbm.at[idx_v], rows_v, sem).wait()
            pltpu.sync_copy(rows_v, out_hbm.at[pl.ds(base, bpw)])

    return k(x, pos)



def _make_grouped_body(ntile):
    def body(meta_ref, x_ref, rw1, rb1, rw2, rb2,
             de_w1, de_b1, de_w2, de_b2, out_ref):
        t = pl.program_id(0)
        ts = x_ref.shape[0]
        first_t = meta_ref[NR + 1 + t]
        last_t = meta_ref[NR + 1 + ntile + t]
        ridbase = NR + 1 + 2 * ntile
        x = x_ref[:]
        siota = jax.lax.broadcasted_iota(jnp.int32, (ts, 1), 0) + t * ts

        def step(k, acc):
            off_k = meta_ref[k]
            off_k1 = meta_ref[k + 1]
            r = meta_ref[ridbase + k]
            h = jnp.maximum(_dotd(x, rw1[r]) + rb1[pl.ds(r, 1), :], 0.0)
            y = _dotd(h, rw2[r]) + rb2[pl.ds(r, 1), :]
            mask = (siota >= off_k) & (siota < off_k1)
            return jnp.where(mask, y, acc)

        acc = jnp.zeros((ts, CV), jnp.float32)
        acc = lax.fori_loop(first_t, last_t + 1, step, acc)
        dh = jnp.maximum(_dotd(acc, de_w1[:, :]) + de_b1[0:1, :], 0.0)
        outv = _dotd(dh, de_w2[:, :]) + de_b2[0:1, :]
        out_ref[:] = jnp.broadcast_to(outv, (ts, 128))

    return body


def _grouped(sorted_x, meta, p):
    b = sorted_x.shape[0]
    ntile = b // TS

    def row(v):
        return v.reshape(1, -1)

    args = (sorted_x,
            p['rw1'].astype(jnp.bfloat16), p['rb1'],
            p['rw2'].astype(jnp.bfloat16), p['rb2'],
            p['de_w1'], row(p['de_b1']), p['de_w2'], p['de_b2'].reshape(1, 1))
    in_specs = [
        pl.BlockSpec((TS, 2 * CV), lambda t, m: (t, 0)),
        pl.BlockSpec((NR, 2 * CV, RH), lambda t, m: (0, 0, 0)),
        pl.BlockSpec((NR, RH), lambda t, m: (0, 0)),
        pl.BlockSpec((NR, RH, CV), lambda t, m: (0, 0, 0)),
        pl.BlockSpec((NR, CV), lambda t, m: (0, 0)),
        pl.BlockSpec((CV, CV), lambda t, m: (0, 0)),
        pl.BlockSpec((1, CV), lambda t, m: (0, 0)),
        pl.BlockSpec((CV, 1), lambda t, m: (0, 0)),
        pl.BlockSpec((1, 1), lambda t, m: (0, 0)),
    ]
    return pl.pallas_call(
        _make_grouped_body(ntile),
        grid_spec=pltpu.PrefetchScalarGridSpec(
            num_scalar_prefetch=1,
            grid=(ntile,),
            in_specs=in_specs,
            out_specs=pl.BlockSpec((TS, 128), lambda t, m: (t, 0)),
        ),
        out_shape=jax.ShapeDtypeStruct((b, 128), jnp.float32),
    )(meta, *args)



@jax.jit
def kernel(operand1, operand2, operator, params):
    b = operand1.shape[0]
    varpc, pos, offx, first, last, rid = _routing(operand1, operand2,
                                                  operator, params)
    posv = pos.reshape(b)
    meta = jnp.concatenate([offx, first, last, rid], axis=1).reshape(-1)
    sorted_x = _sc_permute(varpc, posv, 'scatter')
    sorted_y = _grouped(sorted_x, meta, params)
    out16 = _sc_permute(sorted_y, posv, 'gather')
    return out16[:, 0]

# --- scband reference (transcript-rebuilt; emitter-appended) ---
"""Pipeline reference for scband-arithmetic-nps-88940182766237 (READ-ONLY COPY).

The authoritative reference and input builder live on the scoring server;
editing this copy changes nothing except your own understanding.
"""

import jax, jax.numpy as jnp
import numpy as np
import math

CV = 64; NR = 64; CR = 32; RH = 128; B = 4096


def _mlp(x, w1, b1, w2, b2):
    return jnp.maximum(x @ w1 + b1, 0.0) @ w2 + b2


def _am_impl(x):
    return jax.nn.one_hot(jnp.argmax(x, axis=1), x.shape[1], dtype=x.dtype)


@jax.custom_vjp
def _argmax_onehot(x):
    return _am_impl(x)


def _am_fwd(x):
    op = _am_impl(x)
    return op, op


def _am_bwd(op, g):
    return (g * op,)


_argmax_onehot.defvjp(_am_fwd, _am_bwd)


def setup_inputs(seed: int = 0):
    key = jax.random.key(seed)
    ks = iter(jax.random.split(key, 40))

    def u(shape, fan):
        a = 1.0 / math.sqrt(fan)
        return jax.random.uniform(next(ks), shape, jnp.float32, -a, a)

    params = {
        'eo_w1': u((2, 64), 2), 'eo_b1': u((64,), 2), 'eo_w2': u((64, CV), 64), 'eo_b2': u((CV,), 64),
        'ep_w1': u((3, 64), 3), 'ep_b1': u((64,), 3), 'ep_w2': u((64, CV), 64), 'ep_b2': u((CV,), 64),
        'de_w1': u((CV, 64), CV), 'de_b1': u((64,), CV), 'de_w2': u((64, 1), 64), 'de_b2': u((1,), 64),
        's1q_w': u((CV, 32), CV), 's1q_b': u((32,), CV),
        's1k_w': u((NR, CR, 32), 32), 's1k_b': u((NR, 32), 32),
        's2q_w': u((2, CV, 16), 16), 's2q_b': u((2, 16), 16),
        's2k_w': u((2, CR, 16), 16), 's2k_b': u((2, 16), 16),
        'rule_emb': jax.random.normal(next(ks), (NR, CR), jnp.float32) * 0.1,
        'rw1': u((NR, 2 * CV, RH), RH), 'rb1': u((NR, RH), RH),
        'rw2': u((NR, RH, CV), CV), 'rb2': u((NR, CV), CV),
    }
    operand1 = jax.random.normal(next(ks), (B,), jnp.float32)
    operand2 = jax.random.normal(next(ks), (B,), jnp.float32)
    operator = jax.random.randint(next(ks), (B,), 0, 3).astype(jnp.int32)
    return {'operand1': operand1, 'operand2': operand2, 'operator': operator, 'params': params}


def _forward(operand1, operand2, operator, p):
    b = operand1.shape[0]
    # wrap_operand
    x1c = jnp.stack([operand1, jnp.zeros_like(operand1)], axis=1)
    x2c = jnp.stack([operand2, jnp.ones_like(operand2)], axis=1)
    # wrap_operator
    opc = jax.nn.one_hot(operator, 3, dtype=jnp.float32)
    x1e = _mlp(x1c, p['eo_w1'], p['eo_b1'], p['eo_w2'], p['eo_b2'])
    x2e = _mlp(x2c, p['eo_w1'], p['eo_b1'], p['eo_w2'], p['eo_b2'])
    ope = _mlp(opc, p['ep_w1'], p['ep_b1'], p['ep_w2'], p['ep_b2'])
    hidden = jnp.stack([x1e, x2e, ope], axis=1)  # (b, 3, cv)
    # rules.body_repeat(b)
    body = jnp.broadcast_to(p['rule_emb'][None], (b, NR, CR))
    # selector1: proj_k = GLinear(cr,32,n_rule) on body; proj_q = shared Linear(cv,32) on hidden
    read = jnp.einsum('bnd,nde->bne', body, p['s1k_w']) + p['s1k_b'][None]
    write = hidden @ p['s1q_w'] + p['s1q_b']
    attent1 = jnp.einsum('bne,bme->bnm', read, write) / math.sqrt(32.0)  # (b, NR, 3)
    a1 = attent1.reshape(b, -1)
    prob1 = jax.nn.softmax(a1, axis=1)  # eval path
    mask = _argmax_onehot(prob1).reshape(attent1.shape)
    rule_mask = mask.sum(axis=2)  # (b, NR)
    idx_r = jnp.argmax(rule_mask, axis=1)  # (b,)
    rule_body = jnp.take(p['rule_emb'], idx_r, axis=0)  # (b, CR) gather
    hidden2 = hidden[:, :2, :]
    q2 = jnp.broadcast_to(rule_body[:, None, :], (b, 2, CR))
    read2 = jnp.einsum('bnd,nde->bne', q2, p['s2k_w']) + p['s2k_b'][None]
    write2 = jnp.einsum('bnd,nde->bne', hidden2, p['s2q_w']) + p['s2q_b'][None]
    attent2 = jnp.einsum('bne,bme->bnm', read2, write2) / math.sqrt(16.0)  # (b,2,2)
    prob2 = jax.nn.softmax(attent2, axis=2)
    mask21 = _argmax_onehot(prob2[:, 0, :])
    mask22 = _argmax_onehot(prob2[:, 1, :])
    idx_p = jnp.argmax(mask21, axis=1)
    idx_c = jnp.argmax(mask22, axis=1)
    bi = jnp.arange(b)
    var_p = hidden2[bi, idx_p]
    var_c = hidden2[bi, idx_c]
    var_pc = jnp.concatenate([var_p, var_c], axis=1)  # (b, 2cv)
    # RuleSet: per-token gather of the selected rule MLP (expert dispatch)
    w1 = jnp.take(p['rw1'], idx_r, axis=0)  # (b, 2cv, RH) gather
    b1 = jnp.take(p['rb1'], idx_r, axis=0)
    w2 = jnp.take(p['rw2'], idx_r, axis=0)  # (b, RH, cv) gather
    b2 = jnp.take(p['rb2'], idx_r, axis=0)
    h = jnp.maximum(jnp.einsum('bd,bdh->bh', var_pc, w1) + b1, 0.0)
    output = jnp.einsum('bh,bhc->bc', h, w2) + b2  # (b, cv)
    x3c = _mlp(output, p['de_w1'], p['de_b1'], p['de_w2'], p['de_b2'])[:, 0]
    return x3c


def reference(operand1, operand2, operator, params):
    return _forward(operand1, operand2, operator, params)

if __name__ == "__main__":
    import jax
    _d = setup_inputs()
    print(jax.jit(kernel)(*tuple(_d.values())))

</pallas_src>

<mosaic_0001>
#map = affine_map<(d0, d1) -> (0, 0)>
#map1 = affine_map<(d0, d1) -> (0)>
module attributes {stable_mosaic.version = 14 : i64} {
  func.func @k(%arg0: i32, %arg1: i32, %arg2: memref<4096x128xf32, #tpu.memory_space<hbm>>, %arg3: memref<4096xi32, #tpu.memory_space<hbm>>, %arg4: memref<4096x128xf32, #tpu.memory_space<hbm>>, %arg5: memref<128xi32, #tpu.memory_space<vmem>>, %arg6: memref<128x128xf32, #tpu.memory_space<vmem>>, %arg7: memref<!tpu.dma_semaphore, #tpu.memory_space<semaphore_mem>>) attributes {dimension_semantics = [#tpu.dimension_semantics<core_parallel>, #tpu.dimension_semantics<subcore_parallel>], iteration_bounds = array<i64: 2, 16>, scalar_prefetch = 0 : i64, scratch_operands = 3 : i64, tpu.core_type = #tpu.core_type<sc_vector_subcore>, window_params = [{transform_indices = #map}, {transform_indices = #map1}, {transform_indices = #map}]} {
    %mul3A = arith.constant 2 : i32
    %mul3A_0 = arith.muli %arg1, %mul3A : i32
    %add3A = arith.addi %mul3A_0, %arg0 : i32
    %mul3A_1 = arith.constant 128 : i32
    %mul3A_2 = arith.muli %add3A, %mul3A_1 : i32
    "tpu.region"() ({
      %run_scoped3A = tpu.sem_alloc : memref<!tpu.dma_semaphore, #tpu.memory_space<semaphore_mem>>
      %dma_start3A_7 = tpu.memref_slice %arg3[%mul3A_2] : memref<4096xi32, #tpu.memory_space<hbm>> -> memref<128xi32, #tpu.memory_space<hbm>>
      %dma_start3A_8 = tpu.memref_slice %arg3[%mul3A_2] : memref<4096xi32, #tpu.memory_space<hbm>> -> memref<128xi32, #tpu.memory_space<hbm>>
      tpu.enqueue_dma source(%dma_start3A_8 : memref<128xi32, #tpu.memory_space<hbm>>) target(%arg5 : memref<128xi32, #tpu.memory_space<vmem>>) target_semaphore(%run_scoped3A : memref<!tpu.dma_semaphore, #tpu.memory_space<semaphore_mem>>)
      %dma_wait3A_9 = tpu.memref_slice %arg3[%mul3A_2] : memref<4096xi32, #tpu.memory_space<hbm>> -> memref<128xi32, #tpu.memory_space<hbm>>
      %dma_wait3A_10 = tpu.memref_slice %arg3[%mul3A_2] : memref<4096xi32, #tpu.memory_space<hbm>> -> memref<128xi32, #tpu.memory_space<hbm>>
      tpu.wait_dma2 semaphore(%run_scoped3A : memref<!tpu.dma_semaphore, #tpu.memory_space<semaphore_mem>>) src(%dma_wait3A_10 : memref<128xi32, #tpu.memory_space<hbm>>) dst(%arg5 : memref<128xi32, #tpu.memory_space<vmem>>)
      tpu.yield
    }) : () -> ()
    %dma_start3A = arith.constant 0 : i32
    %dma_start3A_3 = arith.constant 0 : i32
    %dma_start3A_4 = tpu.memref_slice %arg2[%dma_start3A, %dma_start3A_3] : memref<4096x128xf32, #tpu.memory_space<hbm>> -> memref<4096x128xf32, #tpu.memory_space<hbm>>
    tpu.enqueue_indirect_dma source(%dma_start3A_4 : memref<4096x128xf32, #tpu.memory_space<hbm>>) target(%arg6 : memref<128x128xf32, #tpu.memory_space<vmem>>) offsets(%arg5 : memref<128xi32, #tpu.memory_space<vmem>>) semaphore(%arg7 : memref<!tpu.dma_semaphore, #tpu.memory_space<semaphore_mem>>)
    %dma_wait3A = arith.constant 0 : i32
    %dma_wait3A_5 = arith.constant 0 : i32
    %dma_wait3A_6 = tpu.memref_slice %arg2[%dma_wait3A, %dma_wait3A_5] : memref<4096x128xf32, #tpu.memory_space<hbm>> -> memref<4096x128xf32, #tpu.memory_space<hbm>>
    tpu.wait_indirect_dma semaphore(%arg7 : memref<!tpu.dma_semaphore, #tpu.memory_space<semaphore_mem>>) src(%dma_wait3A_6 : memref<4096x128xf32, #tpu.memory_space<hbm>>) dst(%arg6 : memref<128x128xf32, #tpu.memory_space<vmem>>)
    "tpu.region"() ({
      %run_scoped3A = tpu.sem_alloc : memref<!tpu.dma_semaphore, #tpu.memory_space<semaphore_mem>>
      %dma_start3A_7 = arith.constant 0 : i32
      %dma_start3A_8 = tpu.memref_slice %arg4[%mul3A_2, %dma_start3A_7] : memref<4096x128xf32, #tpu.memory_space<hbm>> -> memref<128x128xf32, #tpu.memory_space<hbm>>
      %dma_start3A_9 = arith.constant 0 : i32
      %dma_start3A_10 = tpu.memref_slice %arg4[%mul3A_2, %dma_start3A_9] : memref<4096x128xf32, #tpu.memory_space<hbm>> -> memref<128x128xf32, #tpu.memory_space<hbm>>
      tpu.enqueue_dma source(%arg6 : memref<128x128xf32, #tpu.memory_space<vmem>>) target(%dma_start3A_10 : memref<128x128xf32, #tpu.memory_space<hbm>>) target_semaphore(%run_scoped3A : memref<!tpu.dma_semaphore, #tpu.memory_space<semaphore_mem>>)
      %dma_wait3A_11 = arith.constant 0 : i32
      %dma_wait3A_12 = tpu.memref_slice %arg4[%mul3A_2, %dma_wait3A_11] : memref<4096x128xf32, #tpu.memory_space<hbm>> -> memref<128x128xf32, #tpu.memory_space<hbm>>
      %dma_wait3A_13 = arith.constant 0 : i32
      %dma_wait3A_14 = tpu.memref_slice %arg4[%mul3A_2, %dma_wait3A_13] : memref<4096x128xf32, #tpu.memory_space<hbm>> -> memref<128x128xf32, #tpu.memory_space<hbm>>
      tpu.wait_dma2 semaphore(%run_scoped3A : memref<!tpu.dma_semaphore, #tpu.memory_space<semaphore_mem>>) src(%arg6 : memref<128x128xf32, #tpu.memory_space<vmem>>) dst(%dma_wait3A_14 : memref<128x128xf32, #tpu.memory_space<hbm>>)
      tpu.yield
    }) : () -> ()
    return
  }
}

#map = affine_map<(d0, d1) -> (0, 0)>
#map1 = affine_map<(d0, d1) -> (0)>
module attributes {stable_mosaic.version = 14 : i64} {
  func.func @k(%arg0: i32, %arg1: i32, %arg2: memref<4096x128xf32, #tpu.memory_space<hbm>>, %arg3: memref<4096xi32, #tpu.memory_space<hbm>>, %arg4: memref<4096x128xf32, #tpu.memory_space<hbm>>, %arg5: memref<128xi32, #tpu.memory_space<vmem>>, %arg6: memref<128x128xf32, #tpu.memory_space<vmem>>, %arg7: memref<!tpu.dma_semaphore, #tpu.memory_space<semaphore_mem>>) attributes {dimension_semantics = [#tpu.dimension_semantics<core_parallel>, #tpu.dimension_semantics<subcore_parallel>], iteration_bounds = array<i64: 2, 16>, scalar_prefetch = 0 : i64, scratch_operands = 3 : i64, tpu.core_type = #tpu.core_type<sc_vector_subcore>, window_params = [{transform_indices = #map}, {transform_indices = #map1}, {transform_indices = #map}]} {
    %mul3A = arith.constant 2 : i32
    %mul3A_0 = arith.muli %arg1, %mul3A : i32
    %add3A = arith.addi %mul3A_0, %arg0 : i32
    %mul3A_1 = arith.constant 128 : i32
    %mul3A_2 = arith.muli %add3A, %mul3A_1 : i32
    "tpu.region"() ({
      %run_scoped3A = tpu.sem_alloc : memref<!tpu.dma_semaphore, #tpu.memory_space<semaphore_mem>>
      %dma_start3A_7 = tpu.memref_slice %arg3[%mul3A_2] : memref<4096xi32, #tpu.memory_space<hbm>> -> memref<128xi32, #tpu.memory_space<hbm>>
      %dma_start3A_8 = tpu.memref_slice %arg3[%mul3A_2] : memref<4096xi32, #tpu.memory_space<hbm>> -> memref<128xi32, #tpu.memory_space<hbm>>
      tpu.enqueue_dma source(%dma_start3A_8 : memref<128xi32, #tpu.memory_space<hbm>>) target(%arg5 : memref<128xi32, #tpu.memory_space<vmem>>) target_semaphore(%run_scoped3A : memref<!tpu.dma_semaphore, #tpu.memory_space<semaphore_mem>>)
      %dma_wait3A_9 = tpu.memref_slice %arg3[%mul3A_2] : memref<4096xi32, #tpu.memory_space<hbm>> -> memref<128xi32, #tpu.memory_space<hbm>>
      %dma_wait3A_10 = tpu.memref_slice %arg3[%mul3A_2] : memref<4096xi32, #tpu.memory_space<hbm>> -> memref<128xi32, #tpu.memory_space<hbm>>
      tpu.wait_dma2 semaphore(%run_scoped3A : memref<!tpu.dma_semaphore, #tpu.memory_space<semaphore_mem>>) src(%dma_wait3A_10 : memref<128xi32, #tpu.memory_space<hbm>>) dst(%arg5 : memref<128xi32, #tpu.memory_space<vmem>>)
      tpu.yield
    }) : () -> ()
    "tpu.region"() ({
      %run_scoped3A = tpu.sem_alloc : memref<!tpu.dma_semaphore, #tpu.memory_space<semaphore_mem>>
      %dma_start3A_7 = arith.constant 0 : i32
      %dma_start3A_8 = tpu.memref_slice %arg2[%mul3A_2, %dma_start3A_7] : memref<4096x128xf32, #tpu.memory_space<hbm>> -> memref<128x128xf32, #tpu.memory_space<hbm>>
      %dma_start3A_9 = arith.constant 0 : i32
      %dma_start3A_10 = tpu.memref_slice %arg2[%mul3A_2, %dma_start3A_9] : memref<4096x128xf32, #tpu.memory_space<hbm>> -> memref<128x128xf32, #tpu.memory_space<hbm>>
      tpu.enqueue_dma source(%dma_start3A_10 : memref<128x128xf32, #tpu.memory_space<hbm>>) target(%arg6 : memref<128x128xf32, #tpu.memory_space<vmem>>) target_semaphore(%run_scoped3A : memref<!tpu.dma_semaphore, #tpu.memory_space<semaphore_mem>>)
      %dma_wait3A_11 = arith.constant 0 : i32
      %dma_wait3A_12 = tpu.memref_slice %arg2[%mul3A_2, %dma_wait3A_11] : memref<4096x128xf32, #tpu.memory_space<hbm>> -> memref<128x128xf32, #tpu.memory_space<hbm>>
      %dma_wait3A_13 = arith.constant 0 : i32
      %dma_wait3A_14 = tpu.memref_slice %arg2[%mul3A_2, %dma_wait3A_13] : memref<4096x128xf32, #tpu.memory_space<hbm>> -> memref<128x128xf32, #tpu.memory_space<hbm>>
      tpu.wait_dma2 semaphore(%run_scoped3A : memref<!tpu.dma_semaphore, #tpu.memory_space<semaphore_mem>>) src(%dma_wait3A_14 : memref<128x128xf32, #tpu.memory_space<hbm>>) dst(%arg6 : memref<128x128xf32, #tpu.memory_space<vmem>>)
      tpu.yield
    }) : () -> ()
    %dma_start3A = arith.constant 0 : i32
    %dma_start3A_3 = arith.constant 0 : i32
    %dma_start3A_4 = tpu.memref_slice %arg4[%dma_start3A, %dma_start3A_3] : memref<4096x128xf32, #tpu.memory_space<hbm>> -> memref<4096x128xf32, #tpu.memory_space<hbm>>
    tpu.enqueue_indirect_dma source(%arg6 : memref<128x128xf32, #tpu.memory_space<vmem>>) target(%dma_start3A_4 : memref<4096x128xf32, #tpu.memory_space<hbm>>) offsets(%arg5 : memref<128xi32, #tpu.memory_space<vmem>>) semaphore(%arg7 : memref<!tpu.dma_semaphore, #tpu.memory_space<semaphore_mem>>)
    %dma_wait3A = arith.constant 0 : i32
    %dma_wait3A_5 = arith.constant 0 : i32
    %dma_wait3A_6 = tpu.memref_slice %arg4[%dma_wait3A, %dma_wait3A_5] : memref<4096x128xf32, #tpu.memory_space<hbm>> -> memref<4096x128xf32, #tpu.memory_space<hbm>>
    tpu.wait_indirect_dma semaphore(%arg7 : memref<!tpu.dma_semaphore, #tpu.memory_space<semaphore_mem>>) src(%arg6 : memref<128x128xf32, #tpu.memory_space<vmem>>) dst(%dma_wait3A_6 : memref<4096x128xf32, #tpu.memory_space<hbm>>)
    return
  }
}

module attributes {stable_mosaic.version = 14 : i64} {
  func.func @_routing_body(%arg0: memref<4096x2xf32, #tpu.memory_space<vmem>>, %arg1: memref<4096x1xi32, #tpu.memory_space<vmem>>, %arg2: memref<2x64xf32, #tpu.memory_space<vmem>>, %arg3: memref<1x64xf32, #tpu.memory_space<vmem>>, %arg4: memref<64x64xf32, #tpu.memory_space<vmem>>, %arg5: memref<1x64xf32, #tpu.memory_space<vmem>>, %arg6: memref<3x64xf32, #tpu.memory_space<vmem>>, %arg7: memref<1x64xf32, #tpu.memory_space<vmem>>, %arg8: memref<64x64xf32, #tpu.memory_space<vmem>>, %arg9: memref<1x64xf32, #tpu.memory_space<vmem>>, %arg10: memref<64x32xf32, #tpu.memory_space<vmem>>, %arg11: memref<1x32xf32, #tpu.memory_space<vmem>>, %arg12: memref<64x32x32xf32, #tpu.memory_space<vmem>>, %arg13: memref<64x32xf32, #tpu.memory_space<vmem>>, %arg14: memref<64x32xf32, #tpu.memory_space<vmem>>, %arg15: memref<2x64x16xf32, #tpu.memory_space<vmem>>, %arg16: memref<2x1x16xf32, #tpu.memory_space<vmem>>, %arg17: memref<2x32x16xf32, #tpu.memory_space<vmem>>, %arg18: memref<2x1x16xf32, #tpu.memory_space<vmem>>, %arg19: memref<4096x128xf32, #tpu.memory_space<vmem>>, %arg20: memref<4096x1xi32, #tpu.memory_space<vmem>>, %arg21: memref<1x65xi32, #tpu.memory_space<vmem>>, %arg22: memref<1x8xi32, #tpu.memory_space<vmem>>, %arg23: memref<1x8xi32, #tpu.memory_space<vmem>>, %arg24: memref<1x64xi32, #tpu.memory_space<vmem>>) attributes {dimension_semantics = [], scalar_prefetch = 0 : i64, scratch_operands = 0 : i64, tpu.core_type = #tpu.core_type<tc>} {
    %get3A = arith.constant 0 : index
    %get3A_0 = arith.constant 0 : index
    %get3A_1 = vector.load %arg0[%get3A, %get3A_0] : memref<4096x2xf32, #tpu.memory_space<vmem>>, vector<4096x1xf32>
    %get3A_2 = arith.constant 0 : index
    %get3A_3 = arith.constant 1 : index
    %get3A_4 = vector.load %arg0[%get3A_2, %get3A_3] : memref<4096x2xf32, #tpu.memory_space<vmem>>, vector<4096x1xf32>
    %convert_element_type3A = arith.truncf %get3A_1 : vector<4096x1xf32> to vector<4096x1xbf16>
    %convert_element_type3A_5 = arith.extf %convert_element_type3A : vector<4096x1xbf16> to vector<4096x1xf32>
    %get3A_6 = arith.constant 0 : index
    %get3A_7 = arith.constant 0 : index
    %get3A_8 = vector.load %arg2[%get3A_6, %get3A_7] : memref<2x64xf32, #tpu.memory_space<vmem>>, vector<1x64xf32>
    %convert_element_type3A_9 = arith.truncf %get3A_8 : vector<1x64xf32> to vector<1x64xbf16>
    %convert_element_type3A_10 = arith.extf %convert_element_type3A_9 : vector<1x64xbf16> to vector<1x64xf32>
    %mul3A = vector.broadcast %convert_element_type3A_5 : vector<4096x1xf32> to vector<4096x64xf32>
    %mul3A_11 = vector.broadcast %convert_element_type3A_10 : vector<1x64xf32> to vector<4096x64xf32>
    %mul3A_12 = arith.mulf %mul3A, %mul3A_11 : vector<4096x64xf32>
    %get3A_13 = arith.constant 0 : index
    %get3A_14 = arith.constant 0 : index
    %get3A_15 = vector.load %arg3[%get3A_13, %get3A_14] : memref<1x64xf32, #tpu.memory_space<vmem>>, vector<1x64xf32>
    %add3A = vector.broadcast %get3A_15 : vector<1x64xf32> to vector<4096x64xf32>
    %add3A_16 = arith.addf %mul3A_12, %add3A : vector<4096x64xf32>
    %max3A = arith.constant 0.000000e+00 : f32
    %max3A_17 = vector.broadcast %max3A : f32 to vector<4096x64xf32>
    %max3A_18 = arith.maximumf %add3A_16, %max3A_17 : vector<4096x64xf32>
    %convert_element_type3A_19 = arith.truncf %get3A_4 : vector<4096x1xf32> to vector<4096x1xbf16>
    %convert_element_type3A_20 = arith.extf %convert_element_type3A_19 : vector<4096x1xbf16> to vector<4096x1xf32>
    %get3A_21 = arith.constant 0 : index
    %get3A_22 = arith.constant 0 : index
    %get3A_23 = vector.load %arg2[%get3A_21, %get3A_22] : memref<2x64xf32, #tpu.memory_space<vmem>>, vector<1x64xf32>
    %convert_element_type3A_24 = arith.truncf %get3A_23 : vector<1x64xf32> to vector<1x64xbf16>
    %convert_element_type3A_25 = arith.extf %convert_element_type3A_24 : vector<1x64xbf16> to vector<1x64xf32>
    %mul3A_26 = vector.broadcast %convert_element_type3A_20 : vector<4096x1xf32> to vector<4096x64xf32>
    %mul3A_27 = vector.broadcast %convert_element_type3A_25 : vector<1x64xf32> to vector<4096x64xf32>
    %mul3A_28 = arith.mulf %mul3A_26, %mul3A_27 : vector<4096x64xf32>
    %get3A_29 = arith.constant 1 : index
    %get3A_30 = arith.constant 0 : index
    %get3A_31 = vector.load %arg2[%get3A_29, %get3A_30] : memref<2x64xf32, #tpu.memory_space<vmem>>, vector<1x64xf32>
    %convert_element_type3A_32 = arith.truncf %get3A_31 : vector<1x64xf32> to vector<1x64xbf16>
    %convert_element_type3A_33 = arith.extf %convert_element_type3A_32 : vector<1x64xbf16> to vector<1x64xf32>
    %add3A_34 = vector.broadcast %convert_element_type3A_33 : vector<1x64xf32> to vector<4096x64xf32>
    %add3A_35 = arith.addf %mul3A_28, %add3A_34 : vector<4096x64xf32>
    %get3A_36 = arith.constant 0 : index
    %get3A_37 = arith.constant 0 : index
    %get3A_38 = vector.load %arg3[%get3A_36, %get3A_37] : memref<1x64xf32, #tpu.memory_space<vmem>>, vector<1x64xf32>
    %add3A_39 = vector.broadcast %get3A_38 : vector<1x64xf32> to vector<4096x64xf32>
    %add3A_40 = arith.addf %add3A_35, %add3A_39 : vector<4096x64xf32>
    %max3A_41 = arith.constant 0.000000e+00 : f32
    %max3A_42 = vector.broadcast %max3A_41 : f32 to vector<4096x64xf32>
    %max3A_43 = arith.maximumf %add3A_40, %max3A_42 : vector<4096x64xf32>
    %get3A_44 = arith.constant 0 : index
    %get3A_45 = arith.constant 0 : index
    %get3A_46 = vector.load %arg4[%get3A_44, %get3A_45] : memref<64x64xf32, #tpu.memory_space<vmem>>, vector<64x64xf32>
    %convert_element_type3A_47 = arith.truncf %max3A_18 : vector<4096x64xf32> to vector<4096x64xbf16>
    %convert_element_type3A_48 = arith.truncf %get3A_46 : vector<64x64xf32> to vector<64x64xbf16>
    %dot_general3A = arith.constant dense<0.000000e+00> : vector<4096x64xf32>
    %dot_general3A_49 = tpu.matmul %convert_element_type3A_47, %convert_element_type3A_48, %dot_general3A {dimension_numbers = #tpu.dot_dimension_numbers<[1], [0], [0], [1], [0, 0, 1, 1], [], []>, transpose_lhs_hint = false} : vector<4096x64xbf16>, vector<64x64xbf16>, vector<4096x64xf32> -> vector<4096x64xf32>
    %get3A_50 = arith.constant 0 : index
    %get3A_51 = arith.constant 0 : index
    %get3A_52 = vector.load %arg5[%get3A_50, %get3A_51] : memref<1x64xf32, #tpu.memory_space<vmem>>, vector<1x64xf32>
    %add3A_53 = vector.broadcast %get3A_52 : vector<1x64xf32> to vector<4096x64xf32>
    %add3A_54 = arith.addf %dot_general3A_49, %add3A_53 : vector<4096x64xf32>
    %get3A_55 = arith.constant 0 : index
    %get3A_56 = arith.constant 0 : index
    %get3A_57 = vector.load %arg4[%get3A_55, %get3A_56] : memref<64x64xf32, #tpu.memory_space<vmem>>, vector<64x64xf32>
    %convert_element_type3A_58 = arith.truncf %max3A_43 : vector<4096x64xf32> to vector<4096x64xbf16>
    %convert_element_type3A_59 = arith.truncf %get3A_57 : vector<64x64xf32> to vector<64x64xbf16>
    %dot_general3A_60 = arith.constant dense<0.000000e+00> : vector<4096x64xf32>
    %dot_general3A_61 = tpu.matmul %convert_element_type3A_58, %convert_element_type3A_59, %dot_general3A_60 {dimension_numbers = #tpu.dot_dimension_numbers<[1], [0], [0], [1], [0, 0, 1, 1], [], []>, transpose_lhs_hint = false} : vector<4096x64xbf16>, vector<64x64xbf16>, vector<4096x64xf32> -> vector<4096x64xf32>
    %get3A_62 = arith.constant 0 : index
    %get3A_63 = arith.constant 0 : index
    %get3A_64 = vector.load %arg5[%get3A_62, %get3A_63] : memref<1x64xf32, #tpu.memory_space<vmem>>, vector<1x64xf32>
    %add3A_65 = vector.broadcast %get3A_64 : vector<1x64xf32> to vector<4096x64xf32>
    %add3A_66 = arith.addf %dot_general3A_61, %add3A_65 : vector<4096x64xf32>
    %get3A_67 = arith.constant 0 : index
    %get3A_68 = arith.constant 0 : index
    %get3A_69 = vector.load %arg1[%get3A_67, %get3A_68] : memref<4096x1xi32, #tpu.memory_space<vmem>>, vector<4096x1xi32>
    %eq3A = arith.constant 0 : i32
    %eq3A_70 = vector.broadcast %eq3A : i32 to vector<4096x1xi32>
    %eq3A_71 = arith.cmpi eq, %get3A_69, %eq3A_70 : vector<4096x1xi32>
    %get3A_72 = arith.constant 0 : index
    %get3A_73 = arith.constant 0 : index
    %get3A_74 = vector.load %arg6[%get3A_72, %get3A_73] : memref<3x64xf32, #tpu.memory_space<vmem>>, vector<1x64xf32>
    %convert_element_type3A_75 = arith.truncf %get3A_74 : vector<1x64xf32> to vector<1x64xbf16>
    %convert_element_type3A_76 = arith.extf %convert_element_type3A_75 : vector<1x64xbf16> to vector<1x64xf32>
    %jit3A = arith.constant 0.000000e+00 : f32
    %broadcast_in_dim3A = vector.shape_cast %eq3A_71 : vector<4096x1xi1> to vector<4096x1xi1>
    %broadcast_in_dim3A_77 = vector.broadcast %broadcast_in_dim3A : vector<4096x1xi1> to vector<4096x64xi1>
    %broadcast_in_dim3A_78 = vector.shape_cast %convert_element_type3A_76 : vector<1x64xf32> to vector<1x64xf32>
    %broadcast_in_dim3A_79 = vector.broadcast %broadcast_in_dim3A_78 : vector<1x64xf32> to vector<4096x64xf32>
    %broadcast_in_dim3A_80 = vector.broadcast %jit3A : f32 to vector<4096x64xf32>
    %select_n3A = arith.select %broadcast_in_dim3A_77, %broadcast_in_dim3A_79, %broadcast_in_dim3A_80 : vector<4096x64xi1>, vector<4096x64xf32>
    %eq3A_81 = arith.constant 1 : i32
    %eq3A_82 = vector.broadcast %eq3A_81 : i32 to vector<4096x1xi32>
    %eq3A_83 = arith.cmpi eq, %get3A_69, %eq3A_82 : vector<4096x1xi32>
    %get3A_84 = arith.constant 1 : index
    %get3A_85 = arith.constant 0 : index
    %get3A_86 = vector.load %arg6[%get3A_84, %get3A_85] : memref<3x64xf32, #tpu.memory_space<vmem>>, vector<1x64xf32>
    %convert_element_type3A_87 = arith.truncf %get3A_86 : vector<1x64xf32> to vector<1x64xbf16>
    %convert_element_type3A_88 = arith.extf %convert_element_type3A_87 : vector<1x64xbf16> to vector<1x64xf32>
    %jit3A_89 = arith.constant 0.000000e+00 : f32
    %broadcast_in_dim3A_90 = vector.shape_cast %eq3A_83 : vector<4096x1xi1> to vector<4096x1xi1>
    %broadcast_in_dim3A_91 = vector.broadcast %broadcast_in_dim3A_90 : vector<4096x1xi1> to vector<4096x64xi1>
    %broadcast_in_dim3A_92 = vector.shape_cast %convert_element_type3A_88 : vector<1x64xf32> to vector<1x64xf32>
    %broadcast_in_dim3A_93 = vector.broadcast %broadcast_in_dim3A_92 : vector<1x64xf32> to vector<4096x64xf32>
    %broadcast_in_dim3A_94 = vector.broadcast %jit3A_89 : f32 to vector<4096x64xf32>
    %select_n3A_95 = arith.select %broadcast_in_dim3A_91, %broadcast_in_dim3A_93, %broadcast_in_dim3A_94 : vector<4096x64xi1>, vector<4096x64xf32>
    %add3A_96 = arith.addf %select_n3A, %select_n3A_95 : vector<4096x64xf32>
    %eq3A_97 = arith.constant 2 : i32
    %eq3A_98 = vector.broadcast %eq3A_97 : i32 to vector<4096x1xi32>
    %eq3A_99 = arith.cmpi eq, %get3A_69, %eq3A_98 : vector<4096x1xi32>
    %get3A_100 = arith.constant 2 : index
    %get3A_101 = arith.constant 0 : index
    %get3A_102 = vector.load %arg6[%get3A_100, %get3A_101] : memref<3x64xf32, #tpu.memory_space<vmem>>, vector<1x64xf32>
    %convert_element_type3A_103 = arith.truncf %get3A_102 : vector<1x64xf32> to vector<1x64xbf16>
    %convert_element_type3A_104 = arith.extf %convert_element_type3A_103 : vector<1x64xbf16> to vector<1x64xf32>
    %jit3A_105 = arith.constant 0.000000e+00 : f32
    %broadcast_in_dim3A_106 = vector.shape_cast %eq3A_99 : vector<4096x1xi1> to vector<4096x1xi1>
    %broadcast_in_dim3A_107 = vector.broadcast %broadcast_in_dim3A_106 : vector<4096x1xi1> to vector<4096x64xi1>
    %broadcast_in_dim3A_108 = vector.shape_cast %convert_element_type3A_104 : vector<1x64xf32> to vector<1x64xf32>
    %broadcast_in_dim3A_109 = vector.broadcast %broadcast_in_dim3A_108 : vector<1x64xf32> to vector<4096x64xf32>
    %broadcast_in_dim3A_110 = vector.broadcast %jit3A_105 : f32 to vector<4096x64xf32>
    %select_n3A_111 = arith.select %broadcast_in_dim3A_107, %broadcast_in_dim3A_109, %broadcast_in_dim3A_110 : vector<4096x64xi1>, vector<4096x64xf32>
    %add3A_112 = arith.addf %add3A_96, %select_n3A_111 : vector<4096x64xf32>
    %get3A_113 = arith.constant 0 : index
    %get3A_114 = arith.constant 0 : index
    %get3A_115 = vector.load %arg7[%get3A_113, %get3A_114] : memref<1x64xf32, #tpu.memory_space<vmem>>, vector<1x64xf32>
    %add3A_116 = vector.broadcast %get3A_115 : vector<1x64xf32> to vector<4096x64xf32>
    %add3A_117 = arith.addf %add3A_112, %add3A_116 : vector<4096x64xf32>
    %max3A_118 = arith.constant 0.000000e+00 : f32
    %max3A_119 = vector.broadcast %max3A_118 : f32 to vector<4096x64xf32>
    %max3A_120 = arith.maximumf %add3A_117, %max3A_119 : vector<4096x64xf32>
    %get3A_121 = arith.constant 0 : index
    %get3A_122 = arith.constant 0 : index
    %get3A_123 = vector.load %arg8[%get3A_121, %get3A_122] : memref<64x64xf32, #tpu.memory_space<vmem>>, vector<64x64xf32>
    %convert_element_type3A_124 = arith.truncf %max3A_120 : vector<4096x64xf32> to vector<4096x64xbf16>
    %convert_element_type3A_125 = arith.truncf %get3A_123 : vector<64x64xf32> to vector<64x64xbf16>
    %dot_general3A_126 = arith.constant dense<0.000000e+00> : vector<4096x64xf32>
    %dot_general3A_127 = tpu.matmul %convert_element_type3A_124, %convert_element_type3A_125, %dot_general3A_126 {dimension_numbers = #tpu.dot_dimension_numbers<[1], [0], [0], [1], [0, 0, 1, 1], [], []>, transpose_lhs_hint = false} : vector<4096x64xbf16>, vector<64x64xbf16>, vector<4096x64xf32> -> vector<4096x64xf32>
    %get3A_128 = arith.constant 0 : index
    %get3A_129 = arith.constant 0 : index
    %get3A_130 = vector.load %arg9[%get3A_128, %get3A_129] : memref<1x64xf32, #tpu.memory_space<vmem>>, vector<1x64xf32>
    %add3A_131 = vector.broadcast %get3A_130 : vector<1x64xf32> to vector<4096x64xf32>
    %add3A_132 = arith.addf %dot_general3A_127, %add3A_131 : vector<4096x64xf32>
    %get3A_133 = arith.constant 0 : index
    %get3A_134 = arith.constant 0 : index
    %get3A_135 = vector.load %arg14[%get3A_133, %get3A_134] : memref<64x32xf32, #tpu.memory_space<vmem>>, vector<64x32xf32>
    %convert_element_type3A_136 = arith.truncf %get3A_135 : vector<64x32xf32> to vector<64x32xbf16>
    %convert_element_type3A_137 = arith.extf %convert_element_type3A_136 : vector<64x32xbf16> to vector<64x32xf32>
    %broadcast_in_dim3A_138 = vector.shape_cast %convert_element_type3A_137 : vector<64x32xf32> to vector<64x32x1xf32>
    %get3A_139 = arith.constant 0 : index
    %get3A_140 = arith.constant 0 : index
    %get3A_141 = arith.constant 0 : index
    %get3A_142 = vector.load %arg12[%get3A_139, %get3A_140, %get3A_141] : memref<64x32x32xf32, #tpu.memory_space<vmem>>, vector<64x32x32xf32>
    %convert_element_type3A_143 = arith.truncf %get3A_142 : vector<64x32x32xf32> to vector<64x32x32xbf16>
    %convert_element_type3A_144 = arith.extf %convert_element_type3A_143 : vector<64x32x32xbf16> to vector<64x32x32xf32>
    %mul3A_145 = vector.broadcast %broadcast_in_dim3A_138 : vector<64x32x1xf32> to vector<64x32x32xf32>
    %mul3A_146 = arith.mulf %mul3A_145, %convert_element_type3A_144 : vector<64x32x32xf32>
    %reduce_sum3A = arith.constant dense<0.000000e+00> : vector<64x32xf32>
    %reduce_sum3A_147 = vector.multi_reduction <add>, %mul3A_146, %reduce_sum3A [1] : vector<64x32x32xf32> to vector<64x32xf32>
    %get3A_148 = arith.constant 0 : index
    %get3A_149 = arith.constant 0 : index
    %get3A_150 = vector.load %arg13[%get3A_148, %get3A_149] : memref<64x32xf32, #tpu.memory_space<vmem>>, vector<64x32xf32>
    %add3A_151 = arith.addf %reduce_sum3A_147, %get3A_150 : vector<64x32xf32>
    %get3A_152 = arith.constant 0 : index
    %get3A_153 = arith.constant 0 : index
    %get3A_154 = vector.load %arg10[%get3A_152, %get3A_153] : memref<64x32xf32, #tpu.memory_space<vmem>>, vector<64x32xf32>
    %convert_element_type3A_155 = arith.truncf %add3A_54 : vector<4096x64xf32> to vector<4096x64xbf16>
    %convert_element_type3A_156 = arith.truncf %get3A_154 : vector<64x32xf32> to vector<64x32xbf16>
    %dot_general3A_157 = arith.constant dense<0.000000e+00> : vector<4096x32xf32>
    %dot_general3A_158 = tpu.matmul %convert_element_type3A_155, %convert_element_type3A_156, %dot_general3A_157 {dimension_numbers = #tpu.dot_dimension_numbers<[1], [0], [0], [1], [0, 0, 1, 1], [], []>, transpose_lhs_hint = false} : vector<4096x64xbf16>, vector<64x32xbf16>, vector<4096x32xf32> -> vector<4096x32xf32>
    %get3A_159 = arith.constant 0 : index
    %get3A_160 = arith.constant 0 : index
    %get3A_161 = vector.load %arg11[%get3A_159, %get3A_160] : memref<1x32xf32, #tpu.memory_space<vmem>>, vector<1x32xf32>
    %add3A_162 = vector.broadcast %get3A_161 : vector<1x32xf32> to vector<4096x32xf32>
    %add3A_163 = arith.addf %dot_general3A_158, %add3A_162 : vector<4096x32xf32>
    %get3A_164 = arith.constant 0 : index
    %get3A_165 = arith.constant 0 : index
    %get3A_166 = vector.load %arg10[%get3A_164, %get3A_165] : memref<64x32xf32, #tpu.memory_space<vmem>>, vector<64x32xf32>
    %convert_element_type3A_167 = arith.truncf %add3A_66 : vector<4096x64xf32> to vector<4096x64xbf16>
    %convert_element_type3A_168 = arith.truncf %get3A_166 : vector<64x32xf32> to vector<64x32xbf16>
    %dot_general3A_169 = arith.constant dense<0.000000e+00> : vector<4096x32xf32>
    %dot_general3A_170 = tpu.matmul %convert_element_type3A_167, %convert_element_type3A_168, %dot_general3A_169 {dimension_numbers = #tpu.dot_dimension_numbers<[1], [0], [0], [1], [0, 0, 1, 1], [], []>, transpose_lhs_hint = false} : vector<4096x64xbf16>, vector<64x32xbf16>, vector<4096x32xf32> -> vector<4096x32xf32>
    %get3A_171 = arith.constant 0 : index
    %get3A_172 = arith.constant 0 : index
    %get3A_173 = vector.load %arg11[%get3A_171, %get3A_172] : memref<1x32xf32, #tpu.memory_space<vmem>>, vector<1x32xf32>
    %add3A_174 = vector.broadcast %get3A_173 : vector<1x32xf32> to vector<4096x32xf32>
    %add3A_175 = arith.addf %dot_general3A_170, %add3A_174 : vector<4096x32xf32>
    %get3A_176 = arith.constant 0 : index
    %get3A_177 = arith.constant 0 : index
    %get3A_178 = vector.load %arg10[%get3A_176, %get3A_177] : memref<64x32xf32, #tpu.memory_space<vmem>>, vector<64x32xf32>
    %convert_element_type3A_179 = arith.truncf %add3A_132 : vector<4096x64xf32> to vector<4096x64xbf16>
    %convert_element_type3A_180 = arith.truncf %get3A_178 : vector<64x32xf32> to vector<64x32xbf16>
    %dot_general3A_181 = arith.constant dense<0.000000e+00> : vector<4096x32xf32>
    %dot_general3A_182 = tpu.matmul %convert_element_type3A_179, %convert_element_type3A_180, %dot_general3A_181 {dimension_numbers = #tpu.dot_dimension_numbers<[1], [0], [0], [1], [0, 0, 1, 1], [], []>, transpose_lhs_hint = false} : vector<4096x64xbf16>, vector<64x32xbf16>, vector<4096x32xf32> -> vector<4096x32xf32>
    %get3A_183 = arith.constant 0 : index
    %get3A_184 = arith.constant 0 : index
    %get3A_185 = vector.load %arg11[%get3A_183, %get3A_184] : memref<1x32xf32, #tpu.memory_space<vmem>>, vector<1x32xf32>
    %add3A_186 = vector.broadcast %get3A_185 : vector<1x32xf32> to vector<4096x32xf32>
    %add3A_187 = arith.addf %dot_general3A_182, %add3A_186 : vector<4096x32xf32>
    %convert_element_type3A_188 = arith.truncf %add3A_163 : vector<4096x32xf32> to vector<4096x32xbf16>
    %convert_element_type3A_189 = arith.truncf %add3A_151 : vector<64x32xf32> to vector<64x32xbf16>
    %dot_general3A_190 = arith.constant dense<0.000000e+00> : vector<4096x64xf32>
    %dot_general3A_191 = tpu.matmul %convert_element_type3A_188, %convert_element_type3A_189, %dot_general3A_190 {dimension_numbers = #tpu.dot_dimension_numbers<[1], [1], [0], [0], [0, 0, 1, 0], [], []>, transpose_lhs_hint = false} : vector<4096x32xbf16>, vector<64x32xbf16>, vector<4096x64xf32> -> vector<4096x64xf32>
    %convert_element_type3A_192 = arith.truncf %add3A_175 : vector<4096x32xf32> to vector<4096x32xbf16>
    %convert_element_type3A_193 = arith.truncf %add3A_151 : vector<64x32xf32> to vector<64x32xbf16>
    %dot_general3A_194 = arith.constant dense<0.000000e+00> : vector<4096x64xf32>
    %dot_general3A_195 = tpu.matmul %convert_element_type3A_192, %convert_element_type3A_193, %dot_general3A_194 {dimension_numbers = #tpu.dot_dimension_numbers<[1], [1], [0], [0], [0, 0, 1, 0], [], []>, transpose_lhs_hint = false} : vector<4096x32xbf16>, vector<64x32xbf16>, vector<4096x64xf32> -> vector<4096x64xf32>
    %convert_element_type3A_196 = arith.truncf %add3A_187 : vector<4096x32xf32> to vector<4096x32xbf16>
    %convert_element_type3A_197 = arith.truncf %add3A_151 : vector<64x32xf32> to vector<64x32xbf16>
    %dot_general3A_198 = arith.constant dense<0.000000e+00> : vector<4096x64xf32>
    %dot_general3A_199 = tpu.matmul %convert_element_type3A_196, %convert_element_type3A_197, %dot_general3A_198 {dimension_numbers = #tpu.dot_dimension_numbers<[1], [1], [0], [0], [0, 0, 1, 0], [], []>, transpose_lhs_hint = false} : vector<4096x32xbf16>, vector<64x32xbf16>, vector<4096x64xf32> -> vector<4096x64xf32>
    %max3A_200 = arith.maximumf %dot_general3A_191, %dot_general3A_195 : vector<4096x64xf32>
    %max3A_201 = arith.maximumf %max3A_200, %dot_general3A_199 : vector<4096x64xf32>
    %reduce_max3A = arith.constant dense<0xFF800000> : vector<4096xf32>
    %reduce_max3A_202 = vector.multi_reduction <maximumf>, %max3A_201, %reduce_max3A [1] : vector<4096x64xf32> to vector<4096xf32>
    %broadcast_in_dim3A_203 = vector.shape_cast %reduce_max3A_202 : vector<4096xf32> to vector<4096x1xf32>
    %iota3A = tpu.iota {dimensions = array<i32: 1>} : vector<4096x64xi32>
    %convert_element_type3A_204 = arith.sitofp %iota3A : vector<4096x64xi32> to vector<4096x64xf32>
    %eq3A_205 = vector.broadcast %broadcast_in_dim3A_203 : vector<4096x1xf32> to vector<4096x64xf32>
    %eq3A_206 = arith.cmpf oeq, %max3A_201, %eq3A_205 : vector<4096x64xf32>
    %jit3A_207 = arith.constant 6.400000e+01 : f32
    %broadcast_in_dim3A_208 = vector.broadcast %jit3A_207 : f32 to vector<4096x64xf32>
    %select_n3A_209 = arith.select %eq3A_206, %convert_element_type3A_204, %broadcast_in_dim3A_208 : vector<4096x64xi1>, vector<4096x64xf32>
    %reduce_min3A = arith.constant dense<0x7F800000> : vector<4096xf32>
    %reduce_min3A_210 = vector.multi_reduction <minimumf>, %select_n3A_209, %reduce_min3A [1] : vector<4096x64xf32> to vector<4096xf32>
    %broadcast_in_dim3A_211 = vector.shape_cast %reduce_min3A_210 : vector<4096xf32> to vector<4096x1xf32>
    %eq3A_212 = vector.broadcast %broadcast_in_dim3A_211 : vector<4096x1xf32> to vector<4096x64xf32>
    %eq3A_213 = arith.cmpf oeq, %convert_element_type3A_204, %eq3A_212 : vector<4096x64xf32>
    %convert_element_type3A_214 = arith.extui %eq3A_213 : vector<4096x64xi1> to vector<4096x64xi32>
    %convert_element_type3A_215 = arith.sitofp %convert_element_type3A_214 : vector<4096x64xi32> to vector<4096x64xf32>
    %get3A_216 = arith.constant 0 : index
    %get3A_217 = arith.constant 0 : index
    %get3A_218 = vector.load %arg14[%get3A_216, %get3A_217] : memref<64x32xf32, #tpu.memory_space<vmem>>, vector<64x32xf32>
    %dot_general3A_219 = arith.constant dense<0.000000e+00> : vector<4096x32xf32>
    %dot_general3A_220 = tpu.matmul %convert_element_type3A_215, %get3A_218, %dot_general3A_219 {dimension_numbers = #tpu.dot_dimension_numbers<[1], [0], [0], [1], [0, 0, 1, 1], [], []>, precision = #tpu.contract_precision<fp32>, transpose_lhs_hint = false} : vector<4096x64xf32>, vector<64x32xf32>, vector<4096x32xf32> -> vector<4096x32xf32>
    %get3A_221 = arith.constant 0 : index
    %get3A_222 = arith.constant 0 : index
    %get3A_223 = arith.constant 0 : index
    %get3A_224 = vector.load %arg17[%get3A_221, %get3A_222, %get3A_223] : memref<2x32x16xf32, #tpu.memory_space<vmem>>, vector<1x32x16xf32>
    %get3A_225 = vector.shape_cast %get3A_224 : vector<1x32x16xf32> to vector<32x16xf32>
    %convert_element_type3A_226 = arith.truncf %dot_general3A_220 : vector<4096x32xf32> to vector<4096x32xbf16>
    %convert_element_type3A_227 = arith.truncf %get3A_225 : vector<32x16xf32> to vector<32x16xbf16>
    %dot_general3A_228 = arith.constant dense<0.000000e+00> : vector<4096x16xf32>
    %dot_general3A_229 = tpu.matmul %convert_element_type3A_226, %convert_element_type3A_227, %dot_general3A_228 {dimension_numbers = #tpu.dot_dimension_numbers<[1], [0], [0], [1], [0, 0, 1, 1], [], []>, transpose_lhs_hint = false} : vector<4096x32xbf16>, vector<32x16xbf16>, vector<4096x16xf32> -> vector<4096x16xf32>
    %get3A_230 = arith.constant 0 : index
    %get3A_231 = arith.constant 0 : index
    %get3A_232 = arith.constant 0 : index
    %get3A_233 = vector.load %arg18[%get3A_230, %get3A_231, %get3A_232] : memref<2x1x16xf32, #tpu.memory_space<vmem>>, vector<1x1x16xf32>
    %get3A_234 = vector.shape_cast %get3A_233 : vector<1x1x16xf32> to vector<1x16xf32>
    %add3A_235 = vector.broadcast %get3A_234 : vector<1x16xf32> to vector<4096x16xf32>
    %add3A_236 = arith.addf %dot_general3A_229, %add3A_235 : vector<4096x16xf32>
    %get3A_237 = arith.constant 1 : index
    %get3A_238 = arith.constant 0 : index
    %get3A_239 = arith.constant 0 : index
    %get3A_240 = vector.load %arg17[%get3A_237, %get3A_238, %get3A_239] : memref<2x32x16xf32, #tpu.memory_space<vmem>>, vector<1x32x16xf32>
    %get3A_241 = vector.shape_cast %get3A_240 : vector<1x32x16xf32> to vector<32x16xf32>
    %convert_element_type3A_242 = arith.truncf %dot_general3A_220 : vector<4096x32xf32> to vector<4096x32xbf16>
    %convert_element_type3A_243 = arith.truncf %get3A_241 : vector<32x16xf32> to vector<32x16xbf16>
    %dot_general3A_244 = arith.constant dense<0.000000e+00> : vector<4096x16xf32>
    %dot_general3A_245 = tpu.matmul %convert_element_type3A_242, %convert_element_type3A_243, %dot_general3A_244 {dimension_numbers = #tpu.dot_dimension_numbers<[1], [0], [0], [1], [0, 0, 1, 1], [], []>, transpose_lhs_hint = false} : vector<4096x32xbf16>, vector<32x16xbf16>, vector<4096x16xf32> -> vector<4096x16xf32>
    %get3A_246 = arith.constant 1 : index
    %get3A_247 = arith.constant 0 : index
    %get3A_248 = arith.constant 0 : index
    %get3A_249 = vector.load %arg18[%get3A_246, %get3A_247, %get3A_248] : memref<2x1x16xf32, #tpu.memory_space<vmem>>, vector<1x1x16xf32>
    %get3A_250 = vector.shape_cast %get3A_249 : vector<1x1x16xf32> to vector<1x16xf32>
    %add3A_251 = vector.broadcast %get3A_250 : vector<1x16xf32> to vector<4096x16xf32>
    %add3A_252 = arith.addf %dot_general3A_245, %add3A_251 : vector<4096x16xf32>
    %get3A_253 = arith.constant 0 : index
    %get3A_254 = arith.constant 0 : index
    %get3A_255 = arith.constant 0 : index
    %get3A_256 = vector.load %arg15[%get3A_253, %get3A_254, %get3A_255] : memref<2x64x16xf32, #tpu.memory_space<vmem>>, vector<1x64x16xf32>
    %get3A_257 = vector.shape_cast %get3A_256 : vector<1x64x16xf32> to vector<64x16xf32>
    %convert_element_type3A_258 = arith.truncf %add3A_54 : vector<4096x64xf32> to vector<4096x64xbf16>
    %convert_element_type3A_259 = arith.truncf %get3A_257 : vector<64x16xf32> to vector<64x16xbf16>
    %dot_general3A_260 = arith.constant dense<0.000000e+00> : vector<4096x16xf32>
    %dot_general3A_261 = tpu.matmul %convert_element_type3A_258, %convert_element_type3A_259, %dot_general3A_260 {dimension_numbers = #tpu.dot_dimension_numbers<[1], [0], [0], [1], [0, 0, 1, 1], [], []>, transpose_lhs_hint = false} : vector<4096x64xbf16>, vector<64x16xbf16>, vector<4096x16xf32> -> vector<4096x16xf32>
    %get3A_262 = arith.constant 0 : index
    %get3A_263 = arith.constant 0 : index
    %get3A_264 = arith.constant 0 : index
    %get3A_265 = vector.load %arg16[%get3A_262, %get3A_263, %get3A_264] : memref<2x1x16xf32, #tpu.memory_space<vmem>>, vector<1x1x16xf32>
    %get3A_266 = vector.shape_cast %get3A_265 : vector<1x1x16xf32> to vector<1x16xf32>
    %add3A_267 = vector.broadcast %get3A_266 : vector<1x16xf32> to vector<4096x16xf32>
    %add3A_268 = arith.addf %dot_general3A_261, %add3A_267 : vector<4096x16xf32>
    %get3A_269 = arith.constant 1 : index
    %get3A_270 = arith.constant 0 : index
    %get3A_271 = arith.constant 0 : index
    %get3A_272 = vector.load %arg15[%get3A_269, %get3A_270, %get3A_271] : memref<2x64x16xf32, #tpu.memory_space<vmem>>, vector<1x64x16xf32>
    %get3A_273 = vector.shape_cast %get3A_272 : vector<1x64x16xf32> to vector<64x16xf32>
    %convert_element_type3A_274 = arith.truncf %add3A_66 : vector<4096x64xf32> to vector<4096x64xbf16>
    %convert_element_type3A_275 = arith.truncf %get3A_273 : vector<64x16xf32> to vector<64x16xbf16>
    %dot_general3A_276 = arith.constant dense<0.000000e+00> : vector<4096x16xf32>
    %dot_general3A_277 = tpu.matmul %convert_element_type3A_274, %convert_element_type3A_275, %dot_general3A_276 {dimension_numbers = #tpu.dot_dimension_numbers<[1], [0], [0], [1], [0, 0, 1, 1], [], []>, transpose_lhs_hint = false} : vector<4096x64xbf16>, vector<64x16xbf16>, vector<4096x16xf32> -> vector<4096x16xf32>
    %get3A_278 = arith.constant 1 : index
    %get3A_279 = arith.constant 0 : index
    %get3A_280 = arith.constant 0 : index
    %get3A_281 = vector.load %arg16[%get3A_278, %get3A_279, %get3A_280] : memref<2x1x16xf32, #tpu.memory_space<vmem>>, vector<1x1x16xf32>
    %get3A_282 = vector.shape_cast %get3A_281 : vector<1x1x16xf32> to vector<1x16xf32>
    %add3A_283 = vector.broadcast %get3A_282 : vector<1x16xf32> to vector<4096x16xf32>
    %add3A_284 = arith.addf %dot_general3A_277, %add3A_283 : vector<4096x16xf32>
    %convert_element_type3A_285 = arith.truncf %add3A_236 : vector<4096x16xf32> to vector<4096x16xbf16>
    %convert_element_type3A_286 = arith.extf %convert_element_type3A_285 : vector<4096x16xbf16> to vector<4096x16xf32>
    %convert_element_type3A_287 = arith.truncf %add3A_268 : vector<4096x16xf32> to vector<4096x16xbf16>
    %convert_element_type3A_288 = arith.extf %convert_element_type3A_287 : vector<4096x16xbf16> to vector<4096x16xf32>
    %mul3A_289 = arith.mulf %convert_element_type3A_286, %convert_element_type3A_288 : vector<4096x16xf32>
    %reduce_sum3A_290 = arith.constant dense<0.000000e+00> : vector<4096xf32>
    %reduce_sum3A_291 = vector.multi_reduction <add>, %mul3A_289, %reduce_sum3A_290 [1] : vector<4096x16xf32> to vector<4096xf32>
    %broadcast_in_dim3A_292 = vector.shape_cast %reduce_sum3A_291 : vector<4096xf32> to vector<4096x1xf32>
    %convert_element_type3A_293 = arith.truncf %add3A_236 : vector<4096x16xf32> to vector<4096x16xbf16>
    %convert_element_type3A_294 = arith.extf %convert_element_type3A_293 : vector<4096x16xbf16> to vector<4096x16xf32>
    %convert_element_type3A_295 = arith.truncf %add3A_284 : vector<4096x16xf32> to vector<4096x16xbf16>
    %convert_element_type3A_296 = arith.extf %convert_element_type3A_295 : vector<4096x16xbf16> to vector<4096x16xf32>
    %mul3A_297 = arith.mulf %convert_element_type3A_294, %convert_element_type3A_296 : vector<4096x16xf32>
    %reduce_sum3A_298 = arith.constant dense<0.000000e+00> : vector<4096xf32>
    %reduce_sum3A_299 = vector.multi_reduction <add>, %mul3A_297, %reduce_sum3A_298 [1] : vector<4096x16xf32> to vector<4096xf32>
    %broadcast_in_dim3A_300 = vector.shape_cast %reduce_sum3A_299 : vector<4096xf32> to vector<4096x1xf32>
    %convert_element_type3A_301 = arith.truncf %add3A_252 : vector<4096x16xf32> to vector<4096x16xbf16>
    %convert_element_type3A_302 = arith.extf %convert_element_type3A_301 : vector<4096x16xbf16> to vector<4096x16xf32>
    %convert_element_type3A_303 = arith.truncf %add3A_268 : vector<4096x16xf32> to vector<4096x16xbf16>
    %convert_element_type3A_304 = arith.extf %convert_element_type3A_303 : vector<4096x16xbf16> to vector<4096x16xf32>
    %mul3A_305 = arith.mulf %convert_element_type3A_302, %convert_element_type3A_304 : vector<4096x16xf32>
    %reduce_sum3A_306 = arith.constant dense<0.000000e+00> : vector<4096xf32>
    %reduce_sum3A_307 = vector.multi_reduction <add>, %mul3A_305, %reduce_sum3A_306 [1] : vector<4096x16xf32> to vector<4096xf32>
    %broadcast_in_dim3A_308 = vector.shape_cast %reduce_sum3A_307 : vector<4096xf32> to vector<4096x1xf32>
    %convert_element_type3A_309 = arith.truncf %add3A_252 : vector<4096x16xf32> to vector<4096x16xbf16>
    %convert_element_type3A_310 = arith.extf %convert_element_type3A_309 : vector<4096x16xbf16> to vector<4096x16xf32>
    %convert_element_type3A_311 = arith.truncf %add3A_284 : vector<4096x16xf32> to vector<4096x16xbf16>
    %convert_element_type3A_312 = arith.extf %convert_element_type3A_311 : vector<4096x16xbf16> to vector<4096x16xf32>
    %mul3A_313 = arith.mulf %convert_element_type3A_310, %convert_element_type3A_312 : vector<4096x16xf32>
    %reduce_sum3A_314 = arith.constant dense<0.000000e+00> : vector<4096xf32>
    %reduce_sum3A_315 = vector.multi_reduction <add>, %mul3A_313, %reduce_sum3A_314 [1] : vector<4096x16xf32> to vector<4096xf32>
    %broadcast_in_dim3A_316 = vector.shape_cast %reduce_sum3A_315 : vector<4096xf32> to vector<4096x1xf32>
    %gt3A = arith.cmpf ogt, %broadcast_in_dim3A_300, %broadcast_in_dim3A_292 : vector<4096x1xf32>
    %broadcast_in_dim3A_317 = vector.shape_cast %gt3A : vector<4096x1xi1> to vector<4096x1xi1>
    %broadcast_in_dim3A_318 = vector.broadcast %broadcast_in_dim3A_317 : vector<4096x1xi1> to vector<4096x64xi1>
    %select_n3A_319 = arith.select %broadcast_in_dim3A_318, %add3A_66, %add3A_54 : vector<4096x64xi1>, vector<4096x64xf32>
    %gt3A_320 = arith.cmpf ogt, %broadcast_in_dim3A_316, %broadcast_in_dim3A_308 : vector<4096x1xf32>
    %broadcast_in_dim3A_321 = vector.shape_cast %gt3A_320 : vector<4096x1xi1> to vector<4096x1xi1>
    %broadcast_in_dim3A_322 = vector.broadcast %broadcast_in_dim3A_321 : vector<4096x1xi1> to vector<4096x64xi1>
    %select_n3A_323 = arith.select %broadcast_in_dim3A_322, %add3A_66, %add3A_54 : vector<4096x64xi1>, vector<4096x64xf32>
    %concatenate3A = tpu.concatenate %select_n3A_319, %select_n3A_323 in 1 : vector<4096x64xf32>, vector<4096x64xf32> -> vector<4096x128xf32>
    %swap3A = arith.constant 0 : index
    %swap3A_324 = arith.constant 0 : index
    %swap3A_325 = vector.load %arg19[%swap3A, %swap3A_324] : memref<4096x128xf32, #tpu.memory_space<vmem>>, vector<4096x128xf32>
    tpu.vector_store %arg19[%swap3A, %swap3A_324], %concatenate3A {strides = array<i32>} : memref<4096x128xf32, #tpu.memory_space<vmem>>, vector<4096x128xf32>,
    %reduce_sum3A_326 = arith.constant dense<0.000000e+00> : vector<64xf32>
    %reduce_sum3A_327 = vector.multi_reduction <add>, %convert_element_type3A_215, %reduce_sum3A_326 [0] : vector<4096x64xf32> to vector<64xf32>
    %broadcast_in_dim3A_328 = vector.shape_cast %reduce_sum3A_327 : vector<64xf32> to vector<1x64xf32>
    %iota3A_329 = tpu.iota {dimensions = array<i32: 0>} : vector<64x64xi32>
    %iota3A_330 = tpu.iota {dimensions = array<i32: 1>} : vector<64x64xi32>
    %le3A = arith.cmpi sle, %iota3A_329, %iota3A_330 : vector<64x64xi32>
    %convert_element_type3A_331 = arith.extui %le3A : vector<64x64xi1> to vector<64x64xi32>
    %convert_element_type3A_332 = arith.sitofp %convert_element_type3A_331 : vector<64x64xi32> to vector<64x64xf32>
    %dot_general3A_333 = arith.constant dense<0.000000e+00> : vector<1x64xf32>
    %dot_general3A_334 = tpu.matmul %broadcast_in_dim3A_328, %convert_element_type3A_332, %dot_general3A_333 {dimension_numbers = #tpu.dot_dimension_numbers<[1], [0], [0], [1], [0, 0, 1, 1], [], []>, precision = #tpu.contract_precision<fp32>, transpose_lhs_hint = false} : vector<1x64xf32>, vector<64x64xf32>, vector<1x64xf32> -> vector<1x64xf32>
    %sub3A = arith.subf %dot_general3A_334, %broadcast_in_dim3A_328 : vector<1x64xf32>
    %reshape3A = vector.shape_cast %convert_element_type3A_215 : vector<4096x64xf32> to vector<32x128x64xf32>
    %convert_element_type3A_335 = arith.truncf %reshape3A : vector<32x128x64xf32> to vector<32x128x64xbf16>
    %iota3A_336 = tpu.iota {dimensions = array<i32: 0>} : vector<128x128xi32>
    %iota3A_337 = tpu.iota {dimensions = array<i32: 1>} : vector<128x128xi32>
    %le3A_338 = arith.cmpi sle, %iota3A_337, %iota3A_336 : vector<128x128xi32>
    %convert_element_type3A_339 = arith.extui %le3A_338 : vector<128x128xi1> to vector<128x128xi32>
    %convert_element_type3A_340 = arith.sitofp %convert_element_type3A_339 : vector<128x128xi32> to vector<128x128xf32>
    %convert_element_type3A_341 = arith.truncf %convert_element_type3A_340 : vector<128x128xf32> to vector<128x128xbf16>
    %broadcast_in_dim3A_342 = vector.shape_cast %convert_element_type3A_341 : vector<128x128xbf16> to vector<1x128x128xbf16>
    %broadcast_in_dim3A_343 = vector.shape_cast %broadcast_in_dim3A_342 : vector<1x128x128xbf16> to vector<1x128x128xbf16>
    %broadcast_in_dim3A_344 = vector.broadcast %broadcast_in_dim3A_343 : vector<1x128x128xbf16> to vector<32x128x128xbf16>
    %dot_general3A_345 = arith.constant dense<0.000000e+00> : vector<32x128x64xf32>
    %dot_general3A_346 = tpu.matmul %broadcast_in_dim3A_344, %convert_element_type3A_335, %dot_general3A_345 {dimension_numbers = #tpu.dot_dimension_numbers<[2], [1], [1], [2], [0, 0, 0, 1, 1, 2], [0], [0]>, transpose_lhs_hint = false} : vector<32x128x128xbf16>, vector<32x128x64xbf16>, vector<32x128x64xf32> -> vector<32x128x64xf32>
    %reshape3A_347 = vector.shape_cast %convert_element_type3A_215 : vector<4096x64xf32> to vector<32x128x64xf32>
    %reduce_sum3A_348 = arith.constant dense<0.000000e+00> : vector<32x64xf32>
    %reduce_sum3A_349 = vector.multi_reduction <add>, %reshape3A_347, %reduce_sum3A_348 [1] : vector<32x128x64xf32> to vector<32x64xf32>
    %iota3A_350 = tpu.iota {dimensions = array<i32: 0>} : vector<32x32xi32>
    %iota3A_351 = tpu.iota {dimensions = array<i32: 1>} : vector<32x32xi32>
    %lt3A = arith.cmpi slt, %iota3A_351, %iota3A_350 : vector<32x32xi32>
    %convert_element_type3A_352 = arith.extui %lt3A : vector<32x32xi1> to vector<32x32xi32>
    %convert_element_type3A_353 = arith.sitofp %convert_element_type3A_352 : vector<32x32xi32> to vector<32x32xf32>
    %dot_general3A_354 = arith.constant dense<0.000000e+00> : vector<32x64xf32>
    %dot_general3A_355 = tpu.matmul %convert_element_type3A_353, %reduce_sum3A_349, %dot_general3A_354 {dimension_numbers = #tpu.dot_dimension_numbers<[1], [0], [0], [1], [0, 0, 1, 1], [], []>, precision = #tpu.contract_precision<fp32>, transpose_lhs_hint = false} : vector<32x32xf32>, vector<32x64xf32>, vector<32x64xf32> -> vector<32x64xf32>
    %broadcast_in_dim3A_356 = vector.shape_cast %dot_general3A_355 : vector<32x64xf32> to vector<32x1x64xf32>
    %add3A_357 = vector.broadcast %broadcast_in_dim3A_356 : vector<32x1x64xf32> to vector<32x128x64xf32>
    %add3A_358 = arith.addf %dot_general3A_346, %add3A_357 : vector<32x128x64xf32>
    %reshape3A_359 = vector.shape_cast %add3A_358 : vector<32x128x64xf32> to vector<4096x64xf32>
    %sub3A_360 = arith.subf %reshape3A_359, %convert_element_type3A_215 : vector<4096x64xf32>
    %mul3A_361 = arith.mulf %sub3A_360, %convert_element_type3A_215 : vector<4096x64xf32>
    %reduce_sum3A_362 = arith.constant dense<0.000000e+00> : vector<4096xf32>
    %reduce_sum3A_363 = vector.multi_reduction <add>, %mul3A_361, %reduce_sum3A_362 [1] : vector<4096x64xf32> to vector<4096xf32>
    %broadcast_in_dim3A_364 = vector.shape_cast %reduce_sum3A_363 : vector<4096xf32> to vector<4096x1xf32>
    %mul3A_365 = vector.broadcast %sub3A : vector<1x64xf32> to vector<4096x64xf32>
    %mul3A_366 = arith.mulf %mul3A_365, %convert_element_type3A_215 : vector<4096x64xf32>
    %reduce_sum3A_367 = arith.constant dense<0.000000e+00> : vector<4096xf32>
    %reduce_sum3A_368 = vector.multi_reduction <add>, %mul3A_366, %reduce_sum3A_367 [1] : vector<4096x64xf32> to vector<4096xf32>
    %broadcast_in_dim3A_369 = vector.shape_cast %reduce_sum3A_368 : vector<4096xf32> to vector<4096x1xf32>
    %add3A_370 = arith.addf %broadcast_in_dim3A_369, %broadcast_in_dim3A_364 : vector<4096x1xf32>
    %convert_element_type3A_371 = arith.fptosi %add3A_370 : vector<4096x1xf32> to vector<4096x1xi32>
    %swap3A_372 = arith.constant 0 : index
    %swap3A_373 = arith.constant 0 : index
    %swap3A_374 = vector.load %arg20[%swap3A_372, %swap3A_373] : memref<4096x1xi32, #tpu.memory_space<vmem>>, vector<4096x1xi32>
    tpu.vector_store %arg20[%swap3A_372, %swap3A_373], %convert_element_type3A_371 {strides = array<i32>} : memref<4096x1xi32, #tpu.memory_space<vmem>>, vector<4096x1xi32>,
    %gt3A_375 = arith.constant 0.000000e+00 : f32
    %gt3A_376 = vector.broadcast %gt3A_375 : f32 to vector<1x64xf32>
    %gt3A_377 = arith.cmpf ogt, %broadcast_in_dim3A_328, %gt3A_376 : vector<1x64xf32>
    %convert_element_type3A_378 = arith.extui %gt3A_377 : vector<1x64xi1> to vector<1x64xi32>
    %convert_element_type3A_379 = arith.sitofp %convert_element_type3A_378 : vector<1x64xi32> to vector<1x64xf32>
    %dot_general3A_380 = arith.constant dense<0.000000e+00> : vector<1x64xf32>
    %dot_general3A_381 = tpu.matmul %convert_element_type3A_379, %convert_element_type3A_332, %dot_general3A_380 {dimension_numbers = #tpu.dot_dimension_numbers<[1], [0], [0], [1], [0, 0, 1, 1], [], []>, precision = #tpu.contract_precision<fp32>, transpose_lhs_hint = false} : vector<1x64xf32>, vector<64x64xf32>, vector<1x64xf32> -> vector<1x64xf32>
    %reduce_sum3A_382 = arith.constant dense<0.000000e+00> : vector<1xf32>
    %reduce_sum3A_383 = vector.multi_reduction <add>, %convert_element_type3A_379, %reduce_sum3A_382 [1] : vector<1x64xf32> to vector<1xf32>
    %broadcast_in_dim3A_384 = vector.shape_cast %reduce_sum3A_383 : vector<1xf32> to vector<1x1xf32>
    %eq3A_385 = arith.cmpi eq, %iota3A_329, %iota3A_330 : vector<64x64xi32>
    %convert_element_type3A_386 = arith.extui %eq3A_385 : vector<64x64xi1> to vector<64x64xi32>
    %convert_element_type3A_387 = arith.sitofp %convert_element_type3A_386 : vector<64x64xi32> to vector<64x64xf32>
    %sub3A_388 = arith.constant 1.000000e+00 : f32
    %sub3A_389 = vector.broadcast %sub3A_388 : f32 to vector<1x64xf32>
    %sub3A_390 = arith.subf %dot_general3A_381, %sub3A_389 : vector<1x64xf32>
    %broadcast_in_dim3A_391 = vector.shape_cast %sub3A_390 : vector<1x64xf32> to vector<1x64xf32>
    %broadcast_in_dim3A_392 = vector.broadcast %broadcast_in_dim3A_391 : vector<1x64xf32> to vector<64x64xf32>
    %mul3A_393 = arith.mulf %broadcast_in_dim3A_392, %convert_element_type3A_387 : vector<64x64xf32>
    %reduce_sum3A_394 = arith.constant dense<0.000000e+00> : vector<64xf32>
    %reduce_sum3A_395 = vector.multi_reduction <add>, %mul3A_393, %reduce_sum3A_394 [1] : vector<64x64xf32> to vector<64xf32>
    %broadcast_in_dim3A_396 = vector.shape_cast %reduce_sum3A_395 : vector<64xf32> to vector<64x1xf32>
    %broadcast_in_dim3A_397 = vector.shape_cast %convert_element_type3A_379 : vector<1x64xf32> to vector<1x64xf32>
    %broadcast_in_dim3A_398 = vector.broadcast %broadcast_in_dim3A_397 : vector<1x64xf32> to vector<64x64xf32>
    %mul3A_399 = arith.mulf %broadcast_in_dim3A_398, %convert_element_type3A_387 : vector<64x64xf32>
    %reduce_sum3A_400 = arith.constant dense<0.000000e+00> : vector<64xf32>
    %reduce_sum3A_401 = vector.multi_reduction <add>, %mul3A_399, %reduce_sum3A_400 [1] : vector<64x64xf32> to vector<64xf32>
    %broadcast_in_dim3A_402 = vector.shape_cast %reduce_sum3A_401 : vector<64xf32> to vector<64x1xf32>
    %convert_element_type3A_403 = arith.sitofp %iota3A_330 : vector<64x64xi32> to vector<64x64xf32>
    %eq3A_404 = vector.broadcast %broadcast_in_dim3A_396 : vector<64x1xf32> to vector<64x64xf32>
    %eq3A_405 = arith.cmpf oeq, %eq3A_404, %convert_element_type3A_403 : vector<64x64xf32>
    %gt3A_406 = arith.constant 0.000000e+00 : f32
    %gt3A_407 = vector.broadcast %gt3A_406 : f32 to vector<64x1xf32>
    %gt3A_408 = arith.cmpf ogt, %broadcast_in_dim3A_402, %gt3A_407 : vector<64x1xf32>
    %and3A = vector.broadcast %gt3A_408 : vector<64x1xi1> to vector<64x64xi1>
    %and3A_409 = arith.andi %eq3A_405, %and3A : vector<64x64xi1>
    %convert_element_type3A_410 = arith.extui %and3A_409 : vector<64x64xi1> to vector<64x64xi32>
    %convert_element_type3A_411 = arith.sitofp %convert_element_type3A_410 : vector<64x64xi32> to vector<64x64xf32>
    %iota3A_412 = tpu.iota {dimensions = array<i32: 1>} : vector<1x64xi32>
    %convert_element_type3A_413 = arith.sitofp %iota3A_412 : vector<1x64xi32> to vector<1x64xf32>
    %dot_general3A_414 = arith.constant dense<0.000000e+00> : vector<1x64xf32>
    %dot_general3A_415 = tpu.matmul %convert_element_type3A_413, %convert_element_type3A_411, %dot_general3A_414 {dimension_numbers = #tpu.dot_dimension_numbers<[1], [0], [0], [1], [0, 0, 1, 1], [], []>, precision = #tpu.contract_precision<fp32>, transpose_lhs_hint = false} : vector<1x64xf32>, vector<64x64xf32>, vector<1x64xf32> -> vector<1x64xf32>
    %dot_general3A_416 = arith.constant dense<0.000000e+00> : vector<1x64xf32>
    %dot_general3A_417 = tpu.matmul %sub3A, %convert_element_type3A_411, %dot_general3A_416 {dimension_numbers = #tpu.dot_dimension_numbers<[1], [0], [0], [1], [0, 0, 1, 1], [], []>, precision = #tpu.contract_precision<fp32>, transpose_lhs_hint = false} : vector<1x64xf32>, vector<64x64xf32>, vector<1x64xf32> -> vector<1x64xf32>
    %lt3A_418 = vector.broadcast %broadcast_in_dim3A_384 : vector<1x1xf32> to vector<1x64xf32>
    %lt3A_419 = arith.cmpf olt, %convert_element_type3A_413, %lt3A_418 : vector<1x64xf32>
    %jit3A_420 = arith.constant 4.096000e+03 : f32
    %broadcast_in_dim3A_421 = vector.broadcast %jit3A_420 : f32 to vector<1x64xf32>
    %select_n3A_422 = arith.select %lt3A_419, %dot_general3A_417, %broadcast_in_dim3A_421 : vector<1x64xi1>, vector<1x64xf32>
    %broadcast_in_dim3A_423 = vector.shape_cast %select_n3A_422 : vector<1x64xf32> to vector<1x64xf32>
    %broadcast_in_dim3A_424 = vector.broadcast %broadcast_in_dim3A_423 : vector<1x64xf32> to vector<8x64xf32>
    %iota3A_425 = tpu.iota {dimensions = array<i32: 0>} : vector<8x1xi32>
    %convert_element_type3A_426 = arith.sitofp %iota3A_425 : vector<8x1xi32> to vector<8x1xf32>
    %mul3A_427 = arith.constant 5.120000e+02 : f32
    %mul3A_428 = vector.broadcast %mul3A_427 : f32 to vector<8x1xf32>
    %mul3A_429 = arith.mulf %convert_element_type3A_426, %mul3A_428 : vector<8x1xf32>
    %add3A_430 = arith.constant 5.110000e+02 : f32
    %add3A_431 = vector.broadcast %add3A_430 : f32 to vector<8x1xf32>
    %add3A_432 = arith.addf %mul3A_429, %add3A_431 : vector<8x1xf32>
    %le3A_433 = vector.broadcast %mul3A_429 : vector<8x1xf32> to vector<8x64xf32>
    %le3A_434 = arith.cmpf ole, %broadcast_in_dim3A_424, %le3A_433 : vector<8x64xf32>
    %convert_element_type3A_435 = arith.extui %le3A_434 : vector<8x64xi1> to vector<8x64xi32>
    %convert_element_type3A_436 = arith.sitofp %convert_element_type3A_435 : vector<8x64xi32> to vector<8x64xf32>
    %reduce_sum3A_437 = arith.constant dense<0.000000e+00> : vector<8xf32>
    %reduce_sum3A_438 = vector.multi_reduction <add>, %convert_element_type3A_436, %reduce_sum3A_437 [1] : vector<8x64xf32> to vector<8xf32>
    %broadcast_in_dim3A_439 = vector.shape_cast %reduce_sum3A_438 : vector<8xf32> to vector<8x1xf32>
    %sub3A_440 = arith.constant 1.000000e+00 : f32
    %sub3A_441 = vector.broadcast %sub3A_440 : f32 to vector<8x1xf32>
    %sub3A_442 = arith.subf %broadcast_in_dim3A_439, %sub3A_441 : vector<8x1xf32>
    %le3A_443 = vector.broadcast %add3A_432 : vector<8x1xf32> to vector<8x64xf32>
    %le3A_444 = arith.cmpf ole, %broadcast_in_dim3A_424, %le3A_443 : vector<8x64xf32>
    %convert_element_type3A_445 = arith.extui %le3A_444 : vector<8x64xi1> to vector<8x64xi32>
    %convert_element_type3A_446 = arith.sitofp %convert_element_type3A_445 : vector<8x64xi32> to vector<8x64xf32>
    %reduce_sum3A_447 = arith.constant dense<0.000000e+00> : vector<8xf32>
    %reduce_sum3A_448 = vector.multi_reduction <add>, %convert_element_type3A_446, %reduce_sum3A_447 [1] : vector<8x64xf32> to vector<8xf32>
    %broadcast_in_dim3A_449 = vector.shape_cast %reduce_sum3A_448 : vector<8xf32> to vector<8x1xf32>
    %sub3A_450 = arith.constant 1.000000e+00 : f32
    %sub3A_451 = vector.broadcast %sub3A_450 : f32 to vector<8x1xf32>
    %sub3A_452 = arith.subf %broadcast_in_dim3A_449, %sub3A_451 : vector<8x1xf32>
    %broadcast_in_dim3A_453 = arith.constant 4.096000e+03 : f32
    %broadcast_in_dim3A_454 = vector.broadcast %broadcast_in_dim3A_453 : f32 to vector<1x1xf32>
    %concatenate3A_455 = tpu.concatenate %select_n3A_422, %broadcast_in_dim3A_454 in 1 : vector<1x64xf32>, vector<1x1xf32> -> vector<1x65xf32>
    %convert_element_type3A_456 = arith.fptosi %concatenate3A_455 : vector<1x65xf32> to vector<1x65xi32>
    %swap3A_457 = arith.constant 0 : index
    %swap3A_458 = arith.constant 0 : index
    %swap3A_459 = vector.load %arg21[%swap3A_457, %swap3A_458] : memref<1x65xi32, #tpu.memory_space<vmem>>, vector<1x65xi32>
    tpu.vector_store %arg21[%swap3A_457, %swap3A_458], %convert_element_type3A_456 {strides = array<i32>} : memref<1x65xi32, #tpu.memory_space<vmem>>, vector<1x65xi32>,
    %reshape3A_460 = vector.shape_cast %sub3A_442 : vector<8x1xf32> to vector<1x8xf32>
    %convert_element_type3A_461 = arith.fptosi %reshape3A_460 : vector<1x8xf32> to vector<1x8xi32>
    %swap3A_462 = arith.constant 0 : index
    %swap3A_463 = arith.constant 0 : index
    %swap3A_464 = vector.load %arg22[%swap3A_462, %swap3A_463] : memref<1x8xi32, #tpu.memory_space<vmem>>, vector<1x8xi32>
    tpu.vector_store %arg22[%swap3A_462, %swap3A_463], %convert_element_type3A_461 {strides = array<i32>} : memref<1x8xi32, #tpu.memory_space<vmem>>, vector<1x8xi32>,
    %reshape3A_465 = vector.shape_cast %sub3A_452 : vector<8x1xf32> to vector<1x8xf32>
    %convert_element_type3A_466 = arith.fptosi %reshape3A_465 : vector<1x8xf32> to vector<1x8xi32>
    %swap3A_467 = arith.constant 0 : index
    %swap3A_468 = arith.constant 0 : index
    %swap3A_469 = vector.load %arg23[%swap3A_467, %swap3A_468] : memref<1x8xi32, #tpu.memory_space<vmem>>, vector<1x8xi32>
    tpu.vector_store %arg23[%swap3A_467, %swap3A_468], %convert_element_type3A_466 {strides = array<i32>} : memref<1x8xi32, #tpu.memory_space<vmem>>, vector<1x8xi32>,
    %convert_element_type3A_470 = arith.fptosi %dot_general3A_415 : vector<1x64xf32> to vector<1x64xi32>
    %swap3A_471 = arith.constant 0 : index
    %swap3A_472 = arith.constant 0 : index
    %swap3A_473 = vector.load %arg24[%swap3A_471, %swap3A_472] : memref<1x64xi32, #tpu.memory_space<vmem>>, vector<1x64xi32>
    tpu.vector_store %arg24[%swap3A_471, %swap3A_472], %convert_element_type3A_470 {strides = array<i32>} : memref<1x64xi32, #tpu.memory_space<vmem>>, vector<1x64xi32>,
    return
  }
}

module attributes {stable_mosaic.version = 14 : i64} {
  func.func @body(%arg0: i32, %arg1: memref<145xi32, #tpu.memory_space<smem>>, %arg2: memref<512x128xf32, #tpu.memory_space<vmem>>, %arg3: memref<64x128x128xbf16, #tpu.memory_space<vmem>>, %arg4: memref<64x128xf32, #tpu.memory_space<vmem>>, %arg5: memref<64x128x64xbf16, #tpu.memory_space<vmem>>, %arg6: memref<64x64xf32, #tpu.memory_space<vmem>>, %arg7: memref<64x64xf32, #tpu.memory_space<vmem>>, %arg8: memref<1x64xf32, #tpu.memory_space<vmem>>, %arg9: memref<64x1xf32, #tpu.memory_space<vmem>>, %arg10: memref<1x1xf32, #tpu.memory_space<vmem>>, %arg11: memref<512x128xf32, #tpu.memory_space<vmem>>) attributes {dimension_semantics = [#tpu.dimension_semantics<arbitrary>], iteration_bounds = array<i64: 8>, scalar_prefetch = 1 : i64, scratch_operands = 0 : i64, tpu.core_type = #tpu.core_type<tc>, window_params = [{transform_indices = @transform_0, window_bounds = array<i64: 512, 128>}, {pipeline_mode = #tpu.pipeline_mode<synchronous>, transform_indices = @transform_1, window_bounds = array<i64: 64, 128, 128>}, {pipeline_mode = #tpu.pipeline_mode<synchronous>, transform_indices = @transform_2, window_bounds = array<i64: 64, 128>}, {pipeline_mode = #tpu.pipeline_mode<synchronous>, transform_indices = @transform_3, window_bounds = array<i64: 64, 128, 64>}, {pipeline_mode = #tpu.pipeline_mode<synchronous>, transform_indices = @transform_4, window_bounds = array<i64: 64, 64>}, {pipeline_mode = #tpu.pipeline_mode<synchronous>, transform_indices = @transform_5, window_bounds = array<i64: 64, 64>}, {pipeline_mode = #tpu.pipeline_mode<synchronous>, transform_indices = @transform_6, window_bounds = array<i64: 1, 64>}, {pipeline_mode = #tpu.pipeline_mode<synchronous>, transform_indices = @transform_7, window_bounds = array<i64: 64, 1>}, {pipeline_mode = #tpu.pipeline_mode<synchronous>, transform_indices = @transform_8, window_bounds = array<i64: 1, 1>}, {transform_indices = @transform_9, window_bounds = array<i64: 512, 128>}]} {
    %add3A = arith.constant 65 : i32
    %add3A_0 = arith.addi %add3A, %arg0 : i32
    %get3A = arith.index_cast %add3A_0 : i32 to index
    %get3A_1 = memref.load %arg1[%get3A] : memref<145xi32, #tpu.memory_space<smem>>
    %add3A_2 = arith.constant 73 : i32
    %add3A_3 = arith.addi %add3A_2, %arg0 : i32
    %get3A_4 = arith.index_cast %add3A_3 : i32 to index
    %get3A_5 = memref.load %arg1[%get3A_4] : memref<145xi32, #tpu.memory_space<smem>>
    %get3A_6 = arith.constant 0 : index
    %get3A_7 = arith.constant 0 : index
    %get3A_8 = vector.load %arg2[%get3A_6, %get3A_7] : memref<512x128xf32, #tpu.memory_space<vmem>>, vector<512x128xf32>
    %iota3A = tpu.iota {dimensions = array<i32: 0>} : vector<512x1xi32>
    %mul3A = arith.constant 512 : i32
    %mul3A_9 = arith.muli %arg0, %mul3A : i32
    %add3A_10 = vector.broadcast %mul3A_9 : i32 to vector<512x1xi32>
    %add3A_11 = arith.addi %iota3A, %add3A_10 : vector<512x1xi32>
    %broadcast_in_dim3A = arith.constant 0.000000e+00 : f32
    %broadcast_in_dim3A_12 = vector.broadcast %broadcast_in_dim3A : f32 to vector<512x64xf32>
    %add3A_13 = arith.constant 1 : i32
    %add3A_14 = arith.addi %get3A_5, %add3A_13 : i32
    %while3A = arith.subi %add3A_14, %get3A_1 : i32
    %while3A_15 = arith.addi %get3A_1, %while3A : i32
    %while3A_16 = arith.constant 1 : i32
    %while3A_17 = arith.divsi %while3A, %while3A_16 : i32
    %while3A_18 = arith.muli %while3A_17, %while3A_16 : i32
    %while3A_19 = arith.addi %get3A_1, %while3A_18 : i32
    %while3A_20 = arith.constant 1 : i32
    %while3A_21 = scf.for %while3A_52 = %get3A_1 to %while3A_19 step %while3A_20 iter_args(%while3A_53 = %broadcast_in_dim3A_12) -> (vector<512x64xf32>)  : i32 {
      %get3A_54 = arith.index_cast %while3A_52 : i32 to index
      %get3A_55 = memref.load %arg1[%get3A_54] : memref<145xi32, #tpu.memory_space<smem>>
      %add3A_56 = arith.constant 1 : i32
      %add3A_57 = arith.addi %while3A_52, %add3A_56 : i32
      %get3A_58 = arith.index_cast %add3A_57 : i32 to index
      %get3A_59 = memref.load %arg1[%get3A_58] : memref<145xi32, #tpu.memory_space<smem>>
      %add3A_60 = arith.constant 81 : i32
      %add3A_61 = arith.addi %add3A_60, %while3A_52 : i32
      %get3A_62 = arith.index_cast %add3A_61 : i32 to index
      %get3A_63 = memref.load %arg1[%get3A_62] : memref<145xi32, #tpu.memory_space<smem>>
      %get3A_64 = arith.index_cast %get3A_63 : i32 to index
      %get3A_65 = arith.constant 0 : index
      %get3A_66 = arith.constant 0 : index
      %get3A_67 = vector.load %arg3[%get3A_64, %get3A_65, %get3A_66] : memref<64x128x128xbf16, #tpu.memory_space<vmem>>, vector<1x128x128xbf16>
      %get3A_68 = vector.shape_cast %get3A_67 : vector<1x128x128xbf16> to vector<128x128xbf16>
      %convert_element_type3A_69 = arith.truncf %get3A_8 : vector<512x128xf32> to vector<512x128xbf16>
      %dot_general3A_70 = arith.constant dense<0.000000e+00> : vector<512x128xf32>
      %dot_general3A_71 = tpu.matmul %convert_element_type3A_69, %get3A_68, %dot_general3A_70 {dimension_numbers = #tpu.dot_dimension_numbers<[1], [0], [0], [1], [0, 0, 1, 1], [], []>, transpose_lhs_hint = false} : vector<512x128xbf16>, vector<128x128xbf16>, vector<512x128xf32> -> vector<512x128xf32>
      %get3A_72 = arith.index_cast %get3A_63 : i32 to index
      %get3A_73 = arith.constant 0 : index
      %get3A_74 = vector.load %arg4[%get3A_72, %get3A_73] : memref<64x128xf32, #tpu.memory_space<vmem>>, vector<1x128xf32>
      %add3A_75 = vector.broadcast %get3A_74 : vector<1x128xf32> to vector<512x128xf32>
      %add3A_76 = arith.addf %dot_general3A_71, %add3A_75 : vector<512x128xf32>
      %max3A_77 = arith.constant 0.000000e+00 : f32
      %max3A_78 = vector.broadcast %max3A_77 : f32 to vector<512x128xf32>
      %max3A_79 = arith.maximumf %add3A_76, %max3A_78 : vector<512x128xf32>
      %get3A_80 = arith.index_cast %get3A_63 : i32 to index
      %get3A_81 = arith.constant 0 : index
      %get3A_82 = arith.constant 0 : index
      %get3A_83 = vector.load %arg5[%get3A_80, %get3A_81, %get3A_82] : memref<64x128x64xbf16, #tpu.memory_space<vmem>>, vector<1x128x64xbf16>
      %get3A_84 = vector.shape_cast %get3A_83 : vector<1x128x64xbf16> to vector<128x64xbf16>
      %convert_element_type3A_85 = arith.truncf %max3A_79 : vector<512x128xf32> to vector<512x128xbf16>
      %dot_general3A_86 = arith.constant dense<0.000000e+00> : vector<512x64xf32>
      %dot_general3A_87 = tpu.matmul %convert_element_type3A_85, %get3A_84, %dot_general3A_86 {dimension_numbers = #tpu.dot_dimension_numbers<[1], [0], [0], [1], [0, 0, 1, 1], [], []>, transpose_lhs_hint = false} : vector<512x128xbf16>, vector<128x64xbf16>, vector<512x64xf32> -> vector<512x64xf32>
      %get3A_88 = arith.index_cast %get3A_63 : i32 to index
      %get3A_89 = arith.constant 0 : index
      %get3A_90 = vector.load %arg6[%get3A_88, %get3A_89] : memref<64x64xf32, #tpu.memory_space<vmem>>, vector<1x64xf32>
      %add3A_91 = vector.broadcast %get3A_90 : vector<1x64xf32> to vector<512x64xf32>
      %add3A_92 = arith.addf %dot_general3A_87, %add3A_91 : vector<512x64xf32>
      %ge3A = vector.broadcast %get3A_55 : i32 to vector<512x1xi32>
      %ge3A_93 = arith.cmpi sge, %add3A_11, %ge3A : vector<512x1xi32>
      %lt3A = vector.broadcast %get3A_59 : i32 to vector<512x1xi32>
      %lt3A_94 = arith.cmpi slt, %add3A_11, %lt3A : vector<512x1xi32>
      %and3A = arith.andi %ge3A_93, %lt3A_94 : vector<512x1xi1>
      %broadcast_in_dim3A_95 = vector.shape_cast %and3A : vector<512x1xi1> to vector<512x1xi1>
      %broadcast_in_dim3A_96 = vector.broadcast %broadcast_in_dim3A_95 : vector<512x1xi1> to vector<512x64xi1>
      %select_n3A = arith.select %broadcast_in_dim3A_96, %add3A_92, %while3A_53 : vector<512x64xi1>, vector<512x64xf32>
      scf.yield %select_n3A : vector<512x64xf32>
    }
    %while3A_22 = arith.constant 1 : i32
    %while3A_23 = scf.for %while3A_52 = %while3A_19 to %while3A_15 step %while3A_22 iter_args(%while3A_53 = %while3A_21) -> (vector<512x64xf32>)  : i32 {
      %get3A_54 = arith.index_cast %while3A_52 : i32 to index
      %get3A_55 = memref.load %arg1[%get3A_54] : memref<145xi32, #tpu.memory_space<smem>>
      %add3A_56 = arith.constant 1 : i32
      %add3A_57 = arith.addi %while3A_52, %add3A_56 : i32
      %get3A_58 = arith.index_cast %add3A_57 : i32 to index
      %get3A_59 = memref.load %arg1[%get3A_58] : memref<145xi32, #tpu.memory_space<smem>>
      %add3A_60 = arith.constant 81 : i32
      %add3A_61 = arith.addi %add3A_60, %while3A_52 : i32
      %get3A_62 = arith.index_cast %add3A_61 : i32 to index
      %get3A_63 = memref.load %arg1[%get3A_62] : memref<145xi32, #tpu.memory_space<smem>>
      %get3A_64 = arith.index_cast %get3A_63 : i32 to index
      %get3A_65 = arith.constant 0 : index
      %get3A_66 = arith.constant 0 : index
      %get3A_67 = vector.load %arg3[%get3A_64, %get3A_65, %get3A_66] : memref<64x128x128xbf16, #tpu.memory_space<vmem>>, vector<1x128x128xbf16>
      %get3A_68 = vector.shape_cast %get3A_67 : vector<1x128x128xbf16> to vector<128x128xbf16>
      %convert_element_type3A_69 = arith.truncf %get3A_8 : vector<512x128xf32> to vector<512x128xbf16>
      %dot_general3A_70 = arith.constant dense<0.000000e+00> : vector<512x128xf32>
      %dot_general3A_71 = tpu.matmul %convert_element_type3A_69, %get3A_68, %dot_general3A_70 {dimension_numbers = #tpu.dot_dimension_numbers<[1], [0], [0], [1], [0, 0, 1, 1], [], []>, transpose_lhs_hint = false} : vector<512x128xbf16>, vector<128x128xbf16>, vector<512x128xf32> -> vector<512x128xf32>
      %get3A_72 = arith.index_cast %get3A_63 : i32 to index
      %get3A_73 = arith.constant 0 : index
      %get3A_74 = vector.load %arg4[%get3A_72, %get3A_73] : memref<64x128xf32, #tpu.memory_space<vmem>>, vector<1x128xf32>
      %add3A_75 = vector.broadcast %get3A_74 : vector<1x128xf32> to vector<512x128xf32>
      %add3A_76 = arith.addf %dot_general3A_71, %add3A_75 : vector<512x128xf32>
      %max3A_77 = arith.constant 0.000000e+00 : f32
      %max3A_78 = vector.broadcast %max3A_77 : f32 to vector<512x128xf32>
      %max3A_79 = arith.maximumf %add3A_76, %max3A_78 : vector<512x128xf32>
      %get3A_80 = arith.index_cast %get3A_63 : i32 to index
      %get3A_81 = arith.constant 0 : index
      %get3A_82 = arith.constant 0 : index
      %get3A_83 = vector.load %arg5[%get3A_80, %get3A_81, %get3A_82] : memref<64x128x64xbf16, #tpu.memory_space<vmem>>, vector<1x128x64xbf16>
      %get3A_84 = vector.shape_cast %get3A_83 : vector<1x128x64xbf16> to vector<128x64xbf16>
      %convert_element_type3A_85 = arith.truncf %max3A_79 : vector<512x128xf32> to vector<512x128xbf16>
      %dot_general3A_86 = arith.constant dense<0.000000e+00> : vector<512x64xf32>
      %dot_general3A_87 = tpu.matmul %convert_element_type3A_85, %get3A_84, %dot_general3A_86 {dimension_numbers = #tpu.dot_dimension_numbers<[1], [0], [0], [1], [0, 0, 1, 1], [], []>, transpose_lhs_hint = false} : vector<512x128xbf16>, vector<128x64xbf16>, vector<512x64xf32> -> vector<512x64xf32>
      %get3A_88 = arith.index_cast %get3A_63 : i32 to index
      %get3A_89 = arith.constant 0 : index
      %get3A_90 = vector.load %arg6[%get3A_88, %get3A_89] : memref<64x64xf32, #tpu.memory_space<vmem>>, vector<1x64xf32>
      %add3A_91 = vector.broadcast %get3A_90 : vector<1x64xf32> to vector<512x64xf32>
      %add3A_92 = arith.addf %dot_general3A_87, %add3A_91 : vector<512x64xf32>
      %ge3A = vector.broadcast %get3A_55 : i32 to vector<512x1xi32>
      %ge3A_93 = arith.cmpi sge, %add3A_11, %ge3A : vector<512x1xi32>
      %lt3A = vector.broadcast %get3A_59 : i32 to vector<512x1xi32>
      %lt3A_94 = arith.cmpi slt, %add3A_11, %lt3A : vector<512x1xi32>
      %and3A = arith.andi %ge3A_93, %lt3A_94 : vector<512x1xi1>
      %broadcast_in_dim3A_95 = vector.shape_cast %and3A : vector<512x1xi1> to vector<512x1xi1>
      %broadcast_in_dim3A_96 = vector.broadcast %broadcast_in_dim3A_95 : vector<512x1xi1> to vector<512x64xi1>
      %select_n3A = arith.select %broadcast_in_dim3A_96, %add3A_92, %while3A_53 : vector<512x64xi1>, vector<512x64xf32>
      scf.yield %select_n3A : vector<512x64xf32>
    }
    %get3A_24 = arith.constant 0 : index
    %get3A_25 = arith.constant 0 : index
    %get3A_26 = vector.load %arg7[%get3A_24, %get3A_25] : memref<64x64xf32, #tpu.memory_space<vmem>>, vector<64x64xf32>
    %convert_element_type3A = arith.truncf %while3A_23 : vector<512x64xf32> to vector<512x64xbf16>
    %convert_element_type3A_27 = arith.truncf %get3A_26 : vector<64x64xf32> to vector<64x64xbf16>
    %dot_general3A = arith.constant dense<0.000000e+00> : vector<512x64xf32>
    %dot_general3A_28 = tpu.matmul %convert_element_type3A, %convert_element_type3A_27, %dot_general3A {dimension_numbers = #tpu.dot_dimension_numbers<[1], [0], [0], [1], [0, 0, 1, 1], [], []>, transpose_lhs_hint = false} : vector<512x64xbf16>, vector<64x64xbf16>, vector<512x64xf32> -> vector<512x64xf32>
    %get3A_29 = arith.constant 0 : index
    %get3A_30 = arith.constant 0 : index
    %get3A_31 = vector.load %arg8[%get3A_29, %get3A_30] : memref<1x64xf32, #tpu.memory_space<vmem>>, vector<1x64xf32>
    %add3A_32 = vector.broadcast %get3A_31 : vector<1x64xf32> to vector<512x64xf32>
    %add3A_33 = arith.addf %dot_general3A_28, %add3A_32 : vector<512x64xf32>
    %max3A = arith.constant 0.000000e+00 : f32
    %max3A_34 = vector.broadcast %max3A : f32 to vector<512x64xf32>
    %max3A_35 = arith.maximumf %add3A_33, %max3A_34 : vector<512x64xf32>
    %get3A_36 = arith.constant 0 : index
    %get3A_37 = arith.constant 0 : index
    %get3A_38 = vector.load %arg9[%get3A_36, %get3A_37] : memref<64x1xf32, #tpu.memory_space<vmem>>, vector<64x1xf32>
    %convert_element_type3A_39 = arith.truncf %max3A_35 : vector<512x64xf32> to vector<512x64xbf16>
    %convert_element_type3A_40 = arith.truncf %get3A_38 : vector<64x1xf32> to vector<64x1xbf16>
    %dot_general3A_41 = arith.constant dense<0.000000e+00> : vector<512x1xf32>
    %dot_general3A_42 = tpu.matmul %convert_element_type3A_39, %convert_element_type3A_40, %dot_general3A_41 {dimension_numbers = #tpu.dot_dimension_numbers<[1], [0], [0], [1], [0, 0, 1, 1], [], []>, transpose_lhs_hint = false} : vector<512x64xbf16>, vector<64x1xbf16>, vector<512x1xf32> -> vector<512x1xf32>
    %get3A_43 = arith.constant 0 : index
    %get3A_44 = arith.constant 0 : index
    %get3A_45 = vector.load %arg10[%get3A_43, %get3A_44] : memref<1x1xf32, #tpu.memory_space<vmem>>, vector<1x1xf32>
    %add3A_46 = vector.broadcast %get3A_45 : vector<1x1xf32> to vector<512x1xf32>
    %add3A_47 = arith.addf %dot_general3A_42, %add3A_46 : vector<512x1xf32>
    %broadcast_in_dim3A_48 = vector.shape_cast %add3A_47 : vector<512x1xf32> to vector<512x1xf32>
    %broadcast_in_dim3A_49 = vector.broadcast %broadcast_in_dim3A_48 : vector<512x1xf32> to vector<512x128xf32>
    %swap3A = arith.constant 0 : index
    %swap3A_50 = arith.constant 0 : index
    %swap3A_51 = vector.load %arg11[%swap3A, %swap3A_50] : memref<512x128xf32, #tpu.memory_space<vmem>>, vector<512x128xf32>
    tpu.vector_store %arg11[%swap3A, %swap3A_50], %broadcast_in_dim3A_49 {strides = array<i32>} : memref<512x128xf32, #tpu.memory_space<vmem>>, vector<512x128xf32>,
    return
  }
  func.func @transform_0(%arg0: i32, %arg1: memref<145xi32, #tpu.memory_space<smem>>) -> (i32, i32) {
    %c0_i32 = arith.constant 0 : i32
    %c0_i32_0 = arith.constant 0 : i32
    return %arg0, %c0_i32 : i32, i32
  }
  func.func @transform_1(%arg0: i32, %arg1: memref<145xi32, #tpu.memory_space<smem>>) -> (i32, i32, i32) {
    %c0_i32 = arith.constant 0 : i32
    %c0_i32_0 = arith.constant 0 : i32
    %c0_i32_1 = arith.constant 0 : i32
    %c0_i32_2 = arith.constant 0 : i32
    return %c0_i32, %c0_i32_0, %c0_i32_1 : i32, i32, i32
  }
  func.func @transform_2(%arg0: i32, %arg1: memref<145xi32, #tpu.memory_space<smem>>) -> (i32, i32) {
    %c0_i32 = arith.constant 0 : i32
    %c0_i32_0 = arith.constant 0 : i32
    %c0_i32_1 = arith.constant 0 : i32
    return %c0_i32, %c0_i32_0 : i32, i32
  }
  func.func @transform_3(%arg0: i32, %arg1: memref<145xi32, #tpu.memory_space<smem>>) -> (i32, i32, i32) {
    %c0_i32 = arith.constant 0 : i32
    %c0_i32_0 = arith.constant 0 : i32
    %c0_i32_1 = arith.constant 0 : i32
    %c0_i32_2 = arith.constant 0 : i32
    return %c0_i32, %c0_i32_0, %c0_i32_1 : i32, i32, i32
  }
  func.func @transform_4(%arg0: i32, %arg1: memref<145xi32, #tpu.memory_space<smem>>) -> (i32, i32) {
    %c0_i32 = arith.constant 0 : i32
    %c0_i32_0 = arith.constant 0 : i32
    %c0_i32_1 = arith.constant 0 : i32
    return %c0_i32, %c0_i32_0 : i32, i32
  }
  func.func @transform_5(%arg0: i32, %arg1: memref<145xi32, #tpu.memory_space<smem>>) -> (i32, i32) {
    %c0_i32 = arith.constant 0 : i32
    %c0_i32_0 = arith.constant 0 : i32
    %c0_i32_1 = arith.constant 0 : i32
    return %c0_i32, %c0_i32_0 : i32, i32
  }
  func.func @transform_6(%arg0: i32, %arg1: memref<145xi32, #tpu.memory_space<smem>>) -> (i32, i32) {
    %c0_i32 = arith.constant 0 : i32
    %c0_i32_0 = arith.constant 0 : i32
    %c0_i32_1 = arith.constant 0 : i32
    return %c0_i32, %c0_i32_0 : i32, i32
  }
  func.func @transform_7(%arg0: i32, %arg1: memref<145xi32, #tpu.memory_space<smem>>) -> (i32, i32) {
    %c0_i32 = arith.constant 0 : i32
    %c0_i32_0 = arith.constant 0 : i32
    %c0_i32_1 = arith.constant 0 : i32
    return %c0_i32, %c0_i32_0 : i32, i32
  }
  func.func @transform_8(%arg0: i32, %arg1: memref<145xi32, #tpu.memory_space<smem>>) -> (i32, i32) {
    %c0_i32 = arith.constant 0 : i32
    %c0_i32_0 = arith.constant 0 : i32
    %c0_i32_1 = arith.constant 0 : i32
    return %c0_i32, %c0_i32_0 : i32, i32
  }
  func.func @transform_9(%arg0: i32, %arg1: memref<145xi32, #tpu.memory_space<smem>>) -> (i32, i32) {
    %c0_i32 = arith.constant 0 : i32
    %c0_i32_0 = arith.constant 0 : i32
    return %arg0, %c0_i32 : i32, i32
  }
}

</mosaic_0001>

<sc_bundles>
// kernel: kernel.6.cloned.1.call-start
scs
__scs_entry_jumppad:
0x0: {  	(pc) =	sbr.rel $0x88, $3  }
0x1: {  	(tag) =	ssettag $0x0;
	lr =	simm.s32 $0x1  }
0x2: {  	[smem:$0x3F85] =	sst lr;
	_ =	strace $0xD0000000  }
0x3: {  	_ = 	snop  }
0x4: {  	_ = 	snop  }
0x5: {  	_ = 	snop  }
0x6: {  	_ = 	snop  }
0x7: {  	_ = 	snop  }
__scs_overlays_trampoline_lowered:
0x8: {  	[smem:$0x3F94] =	sst s0  }
0x9: {  	[smem:$0x3F95] =	sst s1  }
0xa: {  	[smem:$0x3F96] =	sst s2  }
0xb: {  	[smem:$0x3F97] =	sst s3  }
0xc: {  	[smem:$0x3F98] =	sst s4  }
0xd: {  	[smem:$0x3F99] =	sst s5  }
0xe: {  	[smem:$0x3F9A] =	sst s6  }
0xf: {  	[smem:$0x3F9B] =	sst s7  }
0x10: {  	[smem:$0x3F9C] =	sst s8  }
0x11: {  	[smem:$0x3F9D] =	sst s9;
	s0 =	simm.s32 @!p0 $0x0  }
0x12: {  	s1 =	sld [smem:$0x3F83];
	s0 =	simm.s32 @p0 $0x1  }
0x13: {  	[smem:$0x3F9E] =	sst s0;
	s0 =	simm.s32 @!p1 $0x0  }
0x14: {  	s2 =	sld [smem:$0x3F82];
	s0 =	simm.s32 @p1 $0x1  }
0x15: {  	[smem:$0x3F9F] =	sst s0;
	s0 =	simm.s32 @!p2 $0x0  }
0x16: {  	s3 =	sld [smem:$0x3FDB];
	s0 =	simm.s32 @p2 $0x1  }
0x17: {  	s4 =	simm.s32 $0x1BF5;
	[smem:$0x3FA1] =	sst s0  }
0x18: {  	s0 =	sld [smem:$0x3F84];
	_ =	swait.ge [sflag:s4], $0x0  }
0x19: {  	s7 =	sld [smem:$0x3F85]  }
0x1a: {  	s8 =	sadd.s32 $0xFFFFE003, lr  }
0x1b: {  	s9 =	sadd.s32 $0xFFFFFEF7, lr;
	s5 =	simm.s32 $0xFFFFFFFF;
	p2 =	slt.u32 s8, $0xFFFFF086  }
0x1c: {  	p1 =	slt.u32 s9, $0xF7A;
	s5 =	simm.s32 @!p2 $0x0  }
0x1d: {  	s5 =	simm.s32 @p1 $0x1;
	p0 =	seq.s32 s7, s2  }
0x1e: {  	s7 =	smul.u32 @!p0 $0xF7A, s2;
	p2 =	seq.s32 @!p0 s5, $0x0  }
0x1f: {  	s9 =	smul.u32 $0xF7A, s1;
	s8 =	simm.s32 @!p0 $0x1BF5;
	p2 =	por !p2, p0  }
0x20: {  	[sflag:s8] =	ssyncset.s32 @!p0 $0xFFFFF086;
	s6 =	sadd.s32 @!p0 s3, s7;
	s7 =	simm.s32 @!p0 $0x108  }
0x21: {  	s3 =	sadd.s32 s3, s9;
	s6 =	sadd.s32 @!p0 $0x88, s6;
	s7 =	simm.s32 @p2 $0x1082  }
0x22: {  	[simem:s7], [sflag:s8] =	dma.local @!p0 [hbm:s6], $0xF7A  }
0x23: {  	s9 =	sor.u32 $0xD0000000, s2;
	s6 =	simm.s32 $0x108;
	_ =	swait.ge @!p0 [sflag:s8], $0x0  }
0x24: {  	s3 =	sadd.s32 $0x88, s3;
	s6 =	simm.s32 @!p1 $0x1082;
	[sflag:s4] =	ssyncset.s32 $0xFFFFF086  }
0x25: {  	[simem:s6], [sflag:s4] =	dma.local [hbm:s3], $0xF7A  }
0x26: {  	[smem:$0x3F85] =	sst s1;
	(tag) =	ssettag s2;
	_ =	strace s9  }
0x27: {  	s1 =	sld [smem:$0x3F95]  }
0x28: {  	s2 =	sld [smem:$0x3F96]  }
0x29: {  	s4 =	sld [smem:$0x3F98]  }
0x2a: {  	p0 =	seq.s32 s5, $0x0;
	s5 =	sld [smem:$0x3F99]  }
0x2b: {  	s6 =	sld [smem:$0x3F9A]  }
0x2c: {  	s7 =	sld [smem:$0x3F9B]  }
0x2d: {  	s3 =	simm.s32 $0x108;
	s8 =	sld [smem:$0x3F9C]  }
0x2e: {  	s3 =	simm.s32 @!p0 $0x1082;
	s9 =	sld [smem:$0x3F9D]  }
0x2f: {  	lr =	sadd.s32 s0, s3;
	s0 =	sld [smem:$0x3F94]  }
0x30: {  	s3 =	sld [smem:$0x3F97]  }
0x31: {  	[smem:$0x3FA0] =	sst s10  }
0x32: {  	s10 =	sld [smem:$0x3F9E];
	_ =	sdelay $0x3  }
0x33: {  	p0 =	seq.s32 s10, $0x1;
	s10 =	sld [smem:$0x3FA0];
	_ =	sdelay $0x3  }
0x34: {  	[smem:$0x3FA0] =	sst s10  }
0x35: {  	s10 =	sld [smem:$0x3F9F];
	_ =	sdelay $0x3  }
0x36: {  	p1 =	seq.s32 s10, $0x1;
	s10 =	sld [smem:$0x3FA0];
	_ =	sdelay $0x3  }
0x37: {  	[smem:$0x3FA0] =	sst s10  }
0x38: {  	s10 =	sld [smem:$0x3FA1]  }
0x39: {  	_ = 	snop;
	(pc) =	sbr.ind lr, $3  }
0x3a: {  	_ = 	snop  }
0x3b: {  	_ = 	snop  }
0x3c: {  	p2 =	seq.s32 s10, $0x1;
	s10 =	sld [smem:$0x3FA0]  }
0x3d: {  	_ =	shalt  }
0x3e: {  	_ =	shalt  }
0x3f: {  	_ =	shalt  }
0x40: {  	_ =	shalt  }
0x41: {  	_ =	shalt  }
0x42: {  	_ =	shalt  }
0x43: {  	_ =	shalt  }
0x44: {  	_ =	shalt  }
0x45: {  	_ =	shalt  }
0x46: {  	_ =	shalt  }
0x47: {  	_ =	shalt  }
0x48: {  	_ =	shalt  }
0x49: {  	_ =	shalt  }
0x4a: {  	_ =	shalt  }
0x4b: {  	_ =	shalt  }
0x4c: {  	_ =	shalt  }
0x4d: {  	_ =	shalt  }
0x4e: {  	_ =	shalt  }
0x4f: {  	_ =	shalt  }
0x50: {  	_ =	shalt  }
0x51: {  	_ =	shalt  }
0x52: {  	_ =	shalt  }
0x53: {  	_ =	shalt  }
0x54: {  	_ =	shalt  }
0x55: {  	_ =	shalt  }
0x56: {  	_ =	shalt  }
0x57: {  	_ =	shalt  }
0x58: {  	_ =	shalt  }
0x59: {  	_ =	shalt  }
0x5a: {  	_ =	shalt  }
0x5b: {  	_ =	shalt  }
0x5c: {  	_ =	shalt  }
0x5d: {  	_ =	shalt  }
0x5e: {  	_ =	shalt  }
0x5f: {  	_ =	shalt  }
0x60: {  	_ =	shalt  }
0x61: {  	_ =	shalt  }
0x62: {  	_ =	shalt  }
0x63: {  	_ =	shalt  }
0x64: {  	_ =	shalt  }
0x65: {  	_ =	shalt  }
0x66: {  	_ =	shalt  }
0x67: {  	_ =	shalt  }
0x68: {  	_ =	shalt  }
0x69: {  	_ =	shalt  }
0x6a: {  	_ =	shalt  }
0x6b: {  	_ =	shalt  }
0x6c: {  	_ =	shalt  }
0x6d: {  	_ =	shalt  }
0x6e: {  	_ =	shalt  }
0x6f: {  	_ =	shalt  }
0x70: {  	_ =	shalt  }
0x71: {  	_ =	shalt  }
0x72: {  	_ =	shalt  }
0x73: {  	_ =	shalt  }
0x74: {  	_ =	shalt  }
0x75: {  	_ =	shalt  }
0x76: {  	_ =	shalt  }
0x77: {  	_ =	shalt  }
0x78: {  	_ =	shalt  }
0x79: {  	_ =	shalt  }
0x7a: {  	_ =	shalt  }
0x7b: {  	_ =	shalt  }
0x7c: {  	_ =	shalt  }
0x7d: {  	_ =	shalt  }
0x7e: {  	_ =	shalt  }
0x7f: {  	_ =	shalt  }
0x80: {  	_ =	shalt  }
0x81: {  	_ =	shalt  }
0x82: {  	_ =	shalt  }
0x83: {  	_ =	shalt  }
0x84: {  	_ =	shalt  }
0x85: {  	_ =	shalt  }
0x86: {  	_ =	shalt  }
0x87: {  	_ =	shalt  }
.Lfunc_end0:
.L_simem_size_0:
called_computation_lowered:
.L_overlay_start_0:
0x88: {  	s2 =	sld [smem:$0x3FD9]  }
0x89: {  	s3 =	sld [smem:$0x3FFE];
	_ =	sdelay $0x1  }
0x8a: {  	s1 =	srdreg.scid  }
0x8b: {  	s0 =	sand.u32 $0x1, s1  }
0x8c: {  	s17 =	sshll.u32 s0, $0xA;
	s2 =	sadd.s32 s3, s2  }
0x8d: {  	s2 =	sadd.s32 s2, s17  }
0x8e: {  	[smem:$0x3FAC] =	sst s2  }
0x8f: {  	_ = 	snop  }
0x90: {  	s2 =	sld [smem:$0x3FD0];
	(tm) =	ssettm $0x1  }
0x91: {  	s18 =	sld [smem:$0x3FFB];
	_ =	sdelay $0x3  }
0x92: {  	_ =	strace s18  }
0x93: {  	s3 =	sld [smem:$0x3FFC];
	_ =	sdelay $0x3  }
0x94: {  	_ =	strace s3  }
0x95: {  	s3 =	sld [smem:$0x3FFD];
	_ =	sdelay $0x3  }
0x96: {  	_ =	strace s3  }
0x97: {  	_ =	strace $0x8FFFFFFF  }
0x98: {  	s19 =	sld [smem:$0x3FDB];
	_ =	sdelay $0x1  }
0x99: {  	s4 =	simm.s32 $_scs_section_size  }
0x9a: {  	s5 =	simm.s32 $_size__tile_overlayer_lowered;
	s6 =	simm.s32 $_tile_overlayer_lowered  }
0x9b: {  	s22 =	simm.s32 $0x1BFF;
	s21 =	sshll.u32 s6, $0x1;
	s3 =	sadd.s32 s4, s19  }
0x9c: {  	s7 =	simm.s32 $0x0;
	s20 =	sshll.u32 s5, $0x1;
	s5 =	sadd.s32 s21, s3  }
0x9d: {  	[timem:s7], [sflag:s22] =	dma.local [hbm:s5], s20  }
0x9e: {  	_ =	swait.ge [sflag:s22], s20  }
0x9f: {  	s4 =	ssub.s32 $0x0, s20;
	[sflag:s22] =	ssyncset.done $0x0  }
0xa0: {  	[sflag:s22] =	ssyncadd.s32 s4;
	_ =	sdelay $0x1  }
0xa1: {  	s23 =	simm.s32 $0x1B8B  }
0xa2: {  	_ =	swait.ge [sflag:s23], $0x1  }
0xa3: {  	[sflag:s23] =	ssyncset.done $0x0  }
0xa4: {  	s25 =	simm.s32 $0x1B8E;
	s24 =	sld [smem:$0x3FFE];
	[sflag:s23] =	ssyncadd.s32 $0xFFFFFFFF  }
0xa5: {  	s26 =	simm.s32 $execute0_lowered;
	[smem:$0x3FD2] =	sst s25  }
0xa6: {  	s5 =	sshll.u32 s26, $0x1;
	_ =	strace $0x80000046;
	[dreg:$0x1] =	wrdreg $0xFFFFFFFF  }
0xa7: {  	s28 =	simm.s32 $_size_execute0_lowered;
	s3 =	sadd.s32 s3, s5;
	[dreg:$0x0] =	wrdreg $0x0  }
0xa8: {  	s5 =	sshll.u32 s28, $0x1;
	[dreg:$0x2] =	wrdreg s3  }
0xa9: {  	[dreg:$0x3] =	wrdreg s5  }
0xaa: {  	[dreg:$0x4] =	wrdreg $0xC0  }
0xab: {  	_ =	task [dreg:s7], $0x5FFFF  }
0xac: {  	[dreg:$0x1] =	wrdreg $0xFFFFFFFF  }
0xad: {  	[dreg:$0x0] =	wrdreg $0x60  }
0xae: {  	[dreg:$0x2] =	wrdreg s24  }
0xaf: {  	[dreg:$0x3] =	wrdreg s2  }
0xb0: {  	[dreg:$0x4] =	wrdreg $0x9  }
0xb1: {  	_ =	task.clear_ibuf [dreg:s7], $0x5FFFF;
	_ =	strace $0x90000046  }
0xb2: {  	s29 =	simm.s32 $0x9;
	_ =	strace $0x80000048  }
0xb3: {  	_ =	swait.ge [sflag:s29], $0x1  }
0xb4: {  	[sflag:s29] =	ssyncadd.s32 $0xFFFFFFFF  }
0xb5: {  	_ =	strace $0x90000048  }
0xb6: {  	_ =	sfence  }
0xb7: {  	s30 =	sld [smem:$0x0];
	_ =	sdelay $0x2  }
0xb8: {  	s31 =	sshll.u32 s1, $0xD;
	s1 =	sshrl.u32 s1, $0x2  }
0xb9: {  	s3 =	sand.u32 $0x4000, s31;
	s1 =	sadd.s32 s1, s30  }
0xba: {  	s0 =	sor.u32 s3, s0;
	s1 =	sshll.u32 s1, $0x11  }
0xbb: {  	s0 =	sor.u32 s1, s0  }
0xbc: {  	s0 =	sadd.s32 $0x8F2B, s0  }
0xbd: {  	[sflag:s0] =	ssyncadd.remote.s32 $0x1  }
0xbe: {  	_ =	sfence.sel $0xFFFF  }
0xbf: {  	[dreg:$0x0] =	wrdreg $0xFFFFFFFF;
	(pc) =	sbr.abs _section_cstart, $3  }
0xc0: {  	[dreg:$0x1] =	wrdreg $0xFFFFFFFF  }
0xc1: {  	_ =	task.clear_ibuf [dreg:s7], $0x2FFFF;
	_ =	strace $0x9FFFFFFF  }
0xc2: {  	(tm) =	ssettm $0x7FFFFFFF  }
0xc3: {  	_ =	shalt  }
tec
execute0_lowered:
.L_overlay_start_1:
0x0: {  	(tag) =	ssettag $0x1  }
0x1: {  	s1 =	srdreg.scid  }
0x2: {  	s7 =	rddreg [dreg:$0x0];
	s0 =	stileid.u32  }
0x3: {  	s3 =	rddreg [dreg:$0x1];
	s2 =	simm.s32 $0x0;
	s5 =	sand.u32 $0x1, s1  }
0x4: {  	s4 =	sshll.u32 s0, $0x8;
	s1 =	rddreg [dreg:$0x2];
	s6 =	sshll.u32 s5, $0x7  }
0x5: {  	[smem:$0x7FF] =	sst s2;
	s6 =	sor.u32 s6, s4  }
0x6: {  	_ =	strace $0x80000047;
	s8 =	ssub.s32 $0x2, s5;
	s4 =	sshrl.u32 s6, $0x3  }
0x7: {  	s9 =	sshrl.u32 s8, $0x1;
	s3 =	sadd.s32 s3, s4;
	s4 =	simm.s32 $0x2  }
0x8: {  	[tilespmem:s2], [sflag:$0x2] =	stream.linear.gather [hbm4b:s3+s2], $0x80, $0x38;
	[tilespmem:$0x4080] =	vst v63  }
0x9: {  	s6 =	sshll.u32 s6, $0x4;
	s8 =	ssub.s32 s8, s9;
	_ =	swait.ge [sflag:s4], $0x80  }
0xa: {  	s6 =	sadd.s32 s6, s7;
	s9 =	smax.u32 s8, $0x1;
	[sflag:s4] =	ssyncset.done $0x0  }
0xb: {  	s5 =	sadd.s32 $0x3800, s6;
	s6 =	simm.s32 $0x80;
	[sflag:s4] =	ssyncadd.s32 $0xFFFFFF80  }
0xc: {  	[tilespmem:s6], [sflag:$0x2] =	stream.linear.gather [hbm4b:s5+s2], $0x4000, $0x38;
	[tilespmem:$0x4080] =	vst v63  }
0xd: {  	p0 =	sne.s32 s9, $0x1;
	_ =	swait.ge [sflag:s4], $0x4000  }
.Ltmp0:
0xe: {  	[sflag:s4] =	ssyncset.done $0x0;
	(pc) =	sbr.rel @!p0 .LBB2_2-.Ltmp0, $4  }
0xf: {  	s7 =	sadd.s32 $0x13800, s7;
	s8 =	simm.s32 $0x1;
	[sflag:s4] =	ssyncadd.s32 $0xFFFFC000  }
0x10: {  	[hbm4b:s7+s6] =	stream.indirect.scatter [tilespmem:s6], [sflag:$0x1], $0x80, s2, s6, $0xb8;
	[tilespmem:$0x4080] =	vst v63  }
0x11: {  	_ =	swait.ge [sflag:s8], $0x4000  }
0x12: {  	s9 =	sadd.s32 $0xFFFFFFFF, s9;
	[sflag:s8] =	ssyncset.done $0x0  }
.LBB2_1:
0x13: {  	p0 =	sne.s32 s9, $0x1;
	s9 =	sadd.s32 $0xFFFFFFFF, s9;
	[sflag:s8] =	ssyncadd.s32 $0xFFFFC000  }
0x14: {  	[tilespmem:s2], [sflag:$0x2] =	stream.linear.gather [hbm4b:s3+s2], $0x80, $0x38;
	[tilespmem:$0x4080] =	vst v63  }
0x15: {  	_ =	swait.ge [sflag:s4], $0x80  }
0x16: {  	[sflag:s4] =	ssyncset.done $0x0  }
0x17: {  	[sflag:s4] =	ssyncadd.s32 $0xFFFFFF80  }
0x18: {  	[tilespmem:s6], [sflag:$0x2] =	stream.linear.gather [hbm4b:s5+s2], $0x4000, $0x38;
	[tilespmem:$0x4080] =	vst v63  }
0x19: {  	_ =	swait.ge [sflag:s4], $0x4000  }
.Ltmp1:
0x1a: {  	[sflag:s4] =	ssyncset.done $0x0;
	(pc) =	sbr.rel @p0 .LBB2_1-.Ltmp1, $4  }
0x1b: {  	[sflag:s4] =	ssyncadd.s32 $0xFFFFC000  }
0x1c: {  	[hbm4b:s7+s6] =	stream.indirect.scatter [tilespmem:s6], [sflag:$0x1], $0x80, s2, s6, $0xb8;
	[tilespmem:$0x4080] =	vst v63  }
0x1d: {  	_ =	swait.ge [sflag:s8], $0x4000  }
0x1e: {  	[sflag:s8] =	ssyncset.done $0x0  }
.LBB2_2:
0x1f: {  	[sflag:s8] =	ssyncadd.s32 $0xFFFFC000  }
0x20: {  	_ =	sfence.sel $0x180000  }
0x21: {  	[bflag:$0x0] =	sbarrier.arrive $0xFFFF  }
0x22: {  	p0 =	sne.s32 s0, $0x0;
	_ =	strace $0x90000047  }
0x23: {  	s0 =	sadd.s32 @!p0 $0x100000, s1;
	[bflag:$0x2] =	sbarrier.arrive $0xFFFF  }
0x24: {  	[sflag:s0] =	ssyncadd.tile.s32 @!p0 $0x1;
	_ =	shalt  }
.Lfunc_end2:
_tile_overlayer_lowered:
.L_overlay_start_2:
0x25: {  	(tag) =	ssettag $0x2  }
0x26: {  	s0 =	rddreg [dreg:$0x0];
	s2 =	stileid.u32  }
0x27: {  	s1 =	rddreg [dreg:$0x1];
	p0 =	sne.s32 s2, $0x0  }
0x28: {  	s3 =	rddreg [dreg:$0x2];
	[bflag:$0x3] =	sbarrier.arrive $0xFFFF;
	s2 =	simm.s32 @!p0 $0x1C02  }
0x29: {  	[timem:s3], [sflag:s2] =	dma.local @!p0 [hbm:s0], s1  }
0x2a: {  	s0 =	simm.s32 @!p0 $0x2  }
0x2b: {  	_ =	swait.ge @!p0 [sflag:s0], s1  }
0x2c: {  	s1 =	ssub.s32 @!p0 $0x0, s1;
	[sflag:s0] =	ssyncset.done @!p0 $0x0  }
0x2d: {  	[sflag:s0] =	ssyncadd.s32 @!p0 s1  }
0x2e: {  	[bflag:$0x3] =	sbarrier.arrive $0xFFFF  }
0x2f: {  	_ =	shalt  }

// kernel: kernel.9.cloned.1.call-start
scs
__scs_entry_jumppad:
0x0: {  	(pc) =	sbr.rel $0x88, $3  }
0x1: {  	(tag) =	ssettag $0x0;
	lr =	simm.s32 $0x1  }
0x2: {  	[smem:$0x3F85] =	sst lr;
	_ =	strace $0xD0000000  }
0x3: {  	_ = 	snop  }
0x4: {  	_ = 	snop  }
0x5: {  	_ = 	snop  }
0x6: {  	_ = 	snop  }
0x7: {  	_ = 	snop  }
__scs_overlays_trampoline_lowered:
0x8: {  	[smem:$0x3F94] =	sst s0  }
0x9: {  	[smem:$0x3F95] =	sst s1  }
0xa: {  	[smem:$0x3F96] =	sst s2  }
0xb: {  	[smem:$0x3F97] =	sst s3  }
0xc: {  	[smem:$0x3F98] =	sst s4  }
0xd: {  	[smem:$0x3F99] =	sst s5  }
0xe: {  	[smem:$0x3F9A] =	sst s6  }
0xf: {  	[smem:$0x3F9B] =	sst s7  }
0x10: {  	[smem:$0x3F9C] =	sst s8  }
0x11: {  	[smem:$0x3F9D] =	sst s9;
	s0 =	simm.s32 @!p0 $0x0  }
0x12: {  	s1 =	sld [smem:$0x3F83];
	s0 =	simm.s32 @p0 $0x1  }
0x13: {  	[smem:$0x3F9E] =	sst s0;
	s0 =	simm.s32 @!p1 $0x0  }
0x14: {  	s2 =	sld [smem:$0x3F82];
	s0 =	simm.s32 @p1 $0x1  }
0x15: {  	[smem:$0x3F9F] =	sst s0;
	s0 =	simm.s32 @!p2 $0x0  }
0x16: {  	s3 =	sld [smem:$0x3FDB];
	s0 =	simm.s32 @p2 $0x1  }
0x17: {  	s4 =	simm.s32 $0x1BF5;
	[smem:$0x3FA1] =	sst s0  }
0x18: {  	s0 =	sld [smem:$0x3F84];
	_ =	swait.ge [sflag:s4], $0x0  }
0x19: {  	s7 =	sld [smem:$0x3F85]  }
0x1a: {  	s8 =	sadd.s32 $0xFFFFE003, lr  }
0x1b: {  	s9 =	sadd.s32 $0xFFFFFEF7, lr;
	s5 =	simm.s32 $0xFFFFFFFF;
	p2 =	slt.u32 s8, $0xFFFFF086  }
0x1c: {  	p1 =	slt.u32 s9, $0xF7A;
	s5 =	simm.s32 @!p2 $0x0  }
0x1d: {  	s5 =	simm.s32 @p1 $0x1;
	p0 =	seq.s32 s7, s2  }
0x1e: {  	s7 =	smul.u32 @!p0 $0xF7A, s2;
	p2 =	seq.s32 @!p0 s5, $0x0  }
0x1f: {  	s9 =	smul.u32 $0xF7A, s1;
	s8 =	simm.s32 @!p0 $0x1BF5;
	p2 =	por !p2, p0  }
0x20: {  	[sflag:s8] =	ssyncset.s32 @!p0 $0xFFFFF086;
	s6 =	sadd.s32 @!p0 s3, s7;
	s7 =	simm.s32 @!p0 $0x108  }
0x21: {  	s3 =	sadd.s32 s3, s9;
	s6 =	sadd.s32 @!p0 $0x88, s6;
	s7 =	simm.s32 @p2 $0x1082  }
0x22: {  	[simem:s7], [sflag:s8] =	dma.local @!p0 [hbm:s6], $0xF7A  }
0x23: {  	s9 =	sor.u32 $0xD0000000, s2;
	s6 =	simm.s32 $0x108;
	_ =	swait.ge @!p0 [sflag:s8], $0x0  }
0x24: {  	s3 =	sadd.s32 $0x88, s3;
	s6 =	simm.s32 @!p1 $0x1082;
	[sflag:s4] =	ssyncset.s32 $0xFFFFF086  }
0x25: {  	[simem:s6], [sflag:s4] =	dma.local [hbm:s3], $0xF7A  }
0x26: {  	[smem:$0x3F85] =	sst s1;
	(tag) =	ssettag s2;
	_ =	strace s9  }
0x27: {  	s1 =	sld [smem:$0x3F95]  }
0x28: {  	s2 =	sld [smem:$0x3F96]  }
0x29: {  	s4 =	sld [smem:$0x3F98]  }
0x2a: {  	p0 =	seq.s32 s5, $0x0;
	s5 =	sld [smem:$0x3F99]  }
0x2b: {  	s6 =	sld [smem:$0x3F9A]  }
0x2c: {  	s7 =	sld [smem:$0x3F9B]  }
0x2d: {  	s3 =	simm.s32 $0x108;
	s8 =	sld [smem:$0x3F9C]  }
0x2e: {  	s3 =	simm.s32 @!p0 $0x1082;
	s9 =	sld [smem:$0x3F9D]  }
0x2f: {  	lr =	sadd.s32 s0, s3;
	s0 =	sld [smem:$0x3F94]  }
0x30: {  	s3 =	sld [smem:$0x3F97]  }
0x31: {  	[smem:$0x3FA0] =	sst s10  }
0x32: {  	s10 =	sld [smem:$0x3F9E];
	_ =	sdelay $0x3  }
0x33: {  	p0 =	seq.s32 s10, $0x1;
	s10 =	sld [smem:$0x3FA0];
	_ =	sdelay $0x3  }
0x34: {  	[smem:$0x3FA0] =	sst s10  }
0x35: {  	s10 =	sld [smem:$0x3F9F];
	_ =	sdelay $0x3  }
0x36: {  	p1 =	seq.s32 s10, $0x1;
	s10 =	sld [smem:$0x3FA0];
	_ =	sdelay $0x3  }
0x37: {  	[smem:$0x3FA0] =	sst s10  }
0x38: {  	s10 =	sld [smem:$0x3FA1]  }
0x39: {  	_ = 	snop;
	(pc) =	sbr.ind lr, $3  }
0x3a: {  	_ = 	snop  }
0x3b: {  	_ = 	snop  }
0x3c: {  	p2 =	seq.s32 s10, $0x1;
	s10 =	sld [smem:$0x3FA0]  }
0x3d: {  	_ =	shalt  }
0x3e: {  	_ =	shalt  }
0x3f: {  	_ =	shalt  }
0x40: {  	_ =	shalt  }
0x41: {  	_ =	shalt  }
0x42: {  	_ =	shalt  }
0x43: {  	_ =	shalt  }
0x44: {  	_ =	shalt  }
0x45: {  	_ =	shalt  }
0x46: {  	_ =	shalt  }
0x47: {  	_ =	shalt  }
0x48: {  	_ =	shalt  }
0x49: {  	_ =	shalt  }
0x4a: {  	_ =	shalt  }
0x4b: {  	_ =	shalt  }
0x4c: {  	_ =	shalt  }
0x4d: {  	_ =	shalt  }
0x4e: {  	_ =	shalt  }
0x4f: {  	_ =	shalt  }
0x50: {  	_ =	shalt  }
0x51: {  	_ =	shalt  }
0x52: {  	_ =	shalt  }
0x53: {  	_ =	shalt  }
0x54: {  	_ =	shalt  }
0x55: {  	_ =	shalt  }
0x56: {  	_ =	shalt  }
0x57: {  	_ =	shalt  }
0x58: {  	_ =	shalt  }
0x59: {  	_ =	shalt  }
0x5a: {  	_ =	shalt  }
0x5b: {  	_ =	shalt  }
0x5c: {  	_ =	shalt  }
0x5d: {  	_ =	shalt  }
0x5e: {  	_ =	shalt  }
0x5f: {  	_ =	shalt  }
0x60: {  	_ =	shalt  }
0x61: {  	_ =	shalt  }
0x62: {  	_ =	shalt  }
0x63: {  	_ =	shalt  }
0x64: {  	_ =	shalt  }
0x65: {  	_ =	shalt  }
0x66: {  	_ =	shalt  }
0x67: {  	_ =	shalt  }
0x68: {  	_ =	shalt  }
0x69: {  	_ =	shalt  }
0x6a: {  	_ =	shalt  }
0x6b: {  	_ =	shalt  }
0x6c: {  	_ =	shalt  }
0x6d: {  	_ =	shalt  }
0x6e: {  	_ =	shalt  }
0x6f: {  	_ =	shalt  }
0x70: {  	_ =	shalt  }
0x71: {  	_ =	shalt  }
0x72: {  	_ =	shalt  }
0x73: {  	_ =	shalt  }
0x74: {  	_ =	shalt  }
0x75: {  	_ =	shalt  }
0x76: {  	_ =	shalt  }
0x77: {  	_ =	shalt  }
0x78: {  	_ =	shalt  }
0x79: {  	_ =	shalt  }
0x7a: {  	_ =	shalt  }
0x7b: {  	_ =	shalt  }
0x7c: {  	_ =	shalt  }
0x7d: {  	_ =	shalt  }
0x7e: {  	_ =	shalt  }
0x7f: {  	_ =	shalt  }
0x80: {  	_ =	shalt  }
0x81: {  	_ =	shalt  }
0x82: {  	_ =	shalt  }
0x83: {  	_ =	shalt  }
0x84: {  	_ =	shalt  }
0x85: {  	_ =	shalt  }
0x86: {  	_ =	shalt  }
0x87: {  	_ =	shalt  }
.Lfunc_end0:
.L_simem_size_0:
called_computation.1_lowered:
.L_overlay_start_0:
0x88: {  	s2 =	sld [smem:$0x3FD9]  }
0x89: {  	s3 =	sld [smem:$0x3FFE];
	_ =	sdelay $0x1  }
0x8a: {  	s1 =	srdreg.scid  }
0x8b: {  	s0 =	sand.u32 $0x1, s1  }
0x8c: {  	s17 =	sshll.u32 s0, $0xA;
	s2 =	sadd.s32 s3, s2  }
0x8d: {  	s2 =	sadd.s32 s2, s17  }
0x8e: {  	[smem:$0x3FAC] =	sst s2  }
0x8f: {  	_ = 	snop  }
0x90: {  	s2 =	sld [smem:$0x3FD0];
	(tm) =	ssettm $0x1  }
0x91: {  	s18 =	sld [smem:$0x3FFB];
	_ =	sdelay $0x3  }
0x92: {  	_ =	strace s18  }
0x93: {  	s3 =	sld [smem:$0x3FFC];
	_ =	sdelay $0x3  }
0x94: {  	_ =	strace s3  }
0x95: {  	s3 =	sld [smem:$0x3FFD];
	_ =	sdelay $0x3  }
0x96: {  	_ =	strace s3  }
0x97: {  	_ =	strace $0x8FFFFFFF  }
0x98: {  	s19 =	sld [smem:$0x3FDB];
	_ =	sdelay $0x1  }
0x99: {  	s4 =	simm.s32 $_scs_section_size  }
0x9a: {  	s5 =	simm.s32 $_size__tile_overlayer_lowered;
	s6 =	simm.s32 $_tile_overlayer_lowered  }
0x9b: {  	s22 =	simm.s32 $0x1BFF;
	s21 =	sshll.u32 s6, $0x1;
	s3 =	sadd.s32 s4, s19  }
0x9c: {  	s7 =	simm.s32 $0x0;
	s20 =	sshll.u32 s5, $0x1;
	s5 =	sadd.s32 s21, s3  }
0x9d: {  	[timem:s7], [sflag:s22] =	dma.local [hbm:s5], s20  }
0x9e: {  	_ =	swait.ge [sflag:s22], s20  }
0x9f: {  	s4 =	ssub.s32 $0x0, s20;
	[sflag:s22] =	ssyncset.done $0x0  }
0xa0: {  	[sflag:s22] =	ssyncadd.s32 s4;
	_ =	sdelay $0x1  }
0xa1: {  	s23 =	simm.s32 $0x1B8B  }
0xa2: {  	_ =	swait.ge [sflag:s23], $0x1  }
0xa3: {  	[sflag:s23] =	ssyncset.done $0x0  }
0xa4: {  	s25 =	simm.s32 $0x1B8E;
	s24 =	sld [smem:$0x3FFE];
	[sflag:s23] =	ssyncadd.s32 $0xFFFFFFFF  }
0xa5: {  	s26 =	simm.s32 $execute0_lowered;
	[smem:$0x3FD2] =	sst s25  }
0xa6: {  	s5 =	sshll.u32 s26, $0x1;
	_ =	strace $0x80000049;
	[dreg:$0x1] =	wrdreg $0xFFFFFFFF  }
0xa7: {  	s28 =	simm.s32 $_size_execute0_lowered;
	s3 =	sadd.s32 s3, s5;
	[dreg:$0x0] =	wrdreg $0x0  }
0xa8: {  	s5 =	sshll.u32 s28, $0x1;
	[dreg:$0x2] =	wrdreg s3  }
0xa9: {  	[dreg:$0x3] =	wrdreg s5  }
0xaa: {  	[dreg:$0x4] =	wrdreg $0xC0  }
0xab: {  	_ =	task [dreg:s7], $0x5FFFF  }
0xac: {  	[dreg:$0x1] =	wrdreg $0xFFFFFFFF  }
0xad: {  	[dreg:$0x0] =	wrdreg $0x60  }
0xae: {  	[dreg:$0x2] =	wrdreg s24  }
0xaf: {  	[dreg:$0x3] =	wrdreg s2  }
0xb0: {  	[dreg:$0x4] =	wrdreg $0x9  }
0xb1: {  	_ =	task.clear_ibuf [dreg:s7], $0x5FFFF;
	_ =	strace $0x90000049  }
0xb2: {  	s29 =	simm.s32 $0x9;
	_ =	strace $0x8000004B  }
0xb3: {  	_ =	swait.ge [sflag:s29], $0x1  }
0xb4: {  	[sflag:s29] =	ssyncadd.s32 $0xFFFFFFFF  }
0xb5: {  	_ =	strace $0x9000004B  }
0xb6: {  	_ =	sfence  }
0xb7: {  	s30 =	sld [smem:$0x0];
	_ =	sdelay $0x2  }
0xb8: {  	s31 =	sshll.u32 s1, $0xD;
	s1 =	sshrl.u32 s1, $0x2  }
0xb9: {  	s3 =	sand.u32 $0x4000, s31;
	s1 =	sadd.s32 s1, s30  }
0xba: {  	s0 =	sor.u32 s3, s0;
	s1 =	sshll.u32 s1, $0x11  }
0xbb: {  	s0 =	sor.u32 s1, s0  }
0xbc: {  	s0 =	sadd.s32 $0x8F2B, s0  }
0xbd: {  	[sflag:s0] =	ssyncadd.remote.s32 $0x1  }
0xbe: {  	_ =	sfence.sel $0xFFFF  }
0xbf: {  	[dreg:$0x0] =	wrdreg $0xFFFFFFFF;
	(pc) =	sbr.abs _section_cstart, $3  }
0xc0: {  	[dreg:$0x1] =	wrdreg $0xFFFFFFFF  }
0xc1: {  	_ =	task.clear_ibuf [dreg:s7], $0x2FFFF;
	_ =	strace $0x9FFFFFFF  }
0xc2: {  	(tm) =	ssettm $0x7FFFFFFF  }
0xc3: {  	_ =	shalt  }
tec
execute0_lowered:
.L_overlay_start_1:
0x0: {  	(tag) =	ssettag $0x1  }
0x1: {  	s1 =	srdreg.scid  }
0x2: {  	s8 =	rddreg [dreg:$0x0];
	s0 =	stileid.u32  }
0x3: {  	s3 =	rddreg [dreg:$0x1];
	s2 =	simm.s32 $0x0;
	s6 =	sand.u32 $0x1, s1  }
0x4: {  	s4 =	sshll.u32 s0, $0x8;
	s1 =	rddreg [dreg:$0x2];
	s5 =	sshll.u32 s6, $0x7  }
0x5: {  	s7 =	simm.s32 $0x1;
	[smem:$0x7FF] =	sst s2;
	s9 =	sor.u32 s5, s4  }
0x6: {  	_ =	strace $0x8000004A;
	s10 =	ssub.s32 $0x2, s6;
	s4 =	sshrl.u32 s9, $0x3  }
0x7: {  	s6 =	simm.s32 $0x80;
	s4 =	sadd.s32 s3, s4;
	s3 =	simm.s32 $0x2  }
0x8: {  	[tilespmem:s2], [sflag:$0x2] =	stream.linear.gather [hbm4b:s4+s2], $0x80, $0x38;
	[tilespmem:$0x4080] =	vst v63  }
0x9: {  	s5 =	sadd.s32 $0x3800, s8;
	s11 =	sshrl.u32 s10, $0x1;
	_ =	swait.ge [sflag:s3], $0x80  }
0xa: {  	s9 =	sshll.u32 s9, $0x4;
	s31 =	ssub.s32 s10, s11;
	[sflag:s3] =	ssyncset.done $0x0  }
0xb: {  	s8 =	sadd.s32 s9, s8;
	s9 =	smax.u32 s31, $0x1;
	[sflag:s3] =	ssyncadd.s32 $0xFFFFFF80  }
0xc: {  	[tilespmem:s6], [sflag:$0x1] =	stream.indirect.gather [hbm4b:s5+s6], $0x80, s2, s6, $0xb8;
	[tilespmem:$0x4080] =	vst v63  }
0xd: {  	p0 =	sne.s32 s9, $0x1;
	_ =	swait.ge [sflag:s7], $0x4000  }
.Ltmp0:
0xe: {  	[sflag:s7] =	ssyncset.done $0x0;
	(pc) =	sbr.rel @!p0 .LBB2_2-.Ltmp0, $4  }
0xf: {  	s8 =	sadd.s32 $0x13800, s8;
	[sflag:s7] =	ssyncadd.s32 $0xFFFFC000  }
0x10: {  	[hbm4b:s8+s2] =	stream.linear.scatter [tilespmem:s6], [sflag:$0x2], $0x4000, $0x38;
	[tilespmem:$0x4080] =	vst v63  }
0x11: {  	_ =	swait.ge [sflag:s3], $0x4000  }
0x12: {  	s9 =	sadd.s32 $0xFFFFFFFF, s9;
	[sflag:s3] =	ssyncset.done $0x0  }
.LBB2_1:
0x13: {  	p0 =	sne.s32 s9, $0x1;
	s9 =	sadd.s32 $0xFFFFFFFF, s9;
	[sflag:s3] =	ssyncadd.s32 $0xFFFFC000  }
0x14: {  	[tilespmem:s2], [sflag:$0x2] =	stream.linear.gather [hbm4b:s4+s2], $0x80, $0x38;
	[tilespmem:$0x4080] =	vst v63  }
0x15: {  	_ =	swait.ge [sflag:s3], $0x80  }
0x16: {  	[sflag:s3] =	ssyncset.done $0x0  }
0x17: {  	[sflag:s3] =	ssyncadd.s32 $0xFFFFFF80  }
0x18: {  	[tilespmem:s6], [sflag:$0x1] =	stream.indirect.gather [hbm4b:s5+s6], $0x80, s2, s6, $0xb8;
	[tilespmem:$0x4080] =	vst v63  }
0x19: {  	_ =	swait.ge [sflag:s7], $0x4000  }
.Ltmp1:
0x1a: {  	[sflag:s7] =	ssyncset.done $0x0;
	(pc) =	sbr.rel @p0 .LBB2_1-.Ltmp1, $4  }
0x1b: {  	[sflag:s7] =	ssyncadd.s32 $0xFFFFC000  }
0x1c: {  	[hbm4b:s8+s2] =	stream.linear.scatter [tilespmem:s6], [sflag:$0x2], $0x4000, $0x38;
	[tilespmem:$0x4080] =	vst v63  }
0x1d: {  	_ =	swait.ge [sflag:s3], $0x4000  }
0x1e: {  	[sflag:s3] =	ssyncset.done $0x0  }
.LBB2_2:
0x1f: {  	[sflag:s3] =	ssyncadd.s32 $0xFFFFC000  }
0x20: {  	_ =	sfence.sel $0x180000  }
0x21: {  	[bflag:$0x0] =	sbarrier.arrive $0xFFFF  }
0x22: {  	p0 =	sne.s32 s0, $0x0;
	_ =	strace $0x9000004A  }
0x23: {  	s0 =	sadd.s32 @!p0 $0x100000, s1;
	[bflag:$0x2] =	sbarrier.arrive $0xFFFF  }
0x24: {  	[sflag:s0] =	ssyncadd.tile.s32 @!p0 $0x1;
	_ =	shalt  }
.Lfunc_end2:
_tile_overlayer_lowered:
.L_overlay_start_2:
0x25: {  	(tag) =	ssettag $0x2  }
0x26: {  	s0 =	rddreg [dreg:$0x0];
	s2 =	stileid.u32  }
0x27: {  	s1 =	rddreg [dreg:$0x1];
	p0 =	sne.s32 s2, $0x0  }
0x28: {  	s3 =	rddreg [dreg:$0x2];
	[bflag:$0x3] =	sbarrier.arrive $0xFFFF;
	s2 =	simm.s32 @!p0 $0x1C02  }
0x29: {  	[timem:s3], [sflag:s2] =	dma.local @!p0 [hbm:s0], s1  }
0x2a: {  	s0 =	simm.s32 @!p0 $0x2  }
0x2b: {  	_ =	swait.ge @!p0 [sflag:s0], s1  }
0x2c: {  	s1 =	ssub.s32 @!p0 $0x0, s1;
	[sflag:s0] =	ssyncset.done @!p0 $0x0  }
0x2d: {  	[sflag:s0] =	ssyncadd.s32 @!p0 s1  }
0x2e: {  	[bflag:$0x3] =	sbarrier.arrive $0xFFFF  }
0x2f: {  	_ =	shalt  }

</sc_bundles>
